<compile_context>
chip_gen: v7x
topology: tpu7x:2x2x1
jax: 0.10.2.dev20260603
libtpu: 0.0.44.dev20260713+nightly
codegen_flags: <defaults>
</compile_context>

<pallas_src>
import functools

import jax
import jax.numpy as jnp
from jax import lax
from jax.experimental import pallas as pl
from jax.experimental.pallas import tpu as pltpu
from jax.experimental.pallas import tpu_sc as plsc

TOKEN_BITS = 12
EMBED_BITS = 64
SEQ_LEN = 512
POS_BITS = 10
TABLE_SIZE = 4096

NUM_CORES = 2
NUM_WORKERS = 16 * NUM_CORES
S_PER_W = SEQ_LEN // NUM_WORKERS
L = 16
CHUNK = 128
ELEMS = S_PER_W * EMBED_BITS
NCHUNK = ELEMS // CHUNK
POS_PER_CHUNK = CHUNK // EMBED_BITS


@functools.partial(
    pl.kernel,
    out_type=jax.ShapeDtypeStruct((SEQ_LEN * EMBED_BITS,), jnp.float32),
    mesh=plsc.VectorSubcoreMesh(core_axis_name="c", subcore_axis_name="s",
                                num_cores=NUM_CORES),
    scratch_types=(
        [pltpu.VMEM((S_PER_W * TOKEN_BITS,), jnp.int32)]
        + [pltpu.VMEM((2 * S_PER_W,), jnp.int32)]
        + [pltpu.VMEM((ELEMS,), jnp.int32)]
        + [pltpu.VMEM((ELEMS,), jnp.float32)]
        + [pltpu.SemaphoreType.DMA] * NCHUNK
        + [pltpu.SemaphoreType.DMA]
    ),
    compiler_params=pltpu.CompilerParams(needs_layout_passes=False),
)
def _ram_embed(tok_hbm, tbl_hbm, out_hbm, tok_v, addr_v, idx_v, g_v, *sems):
    gsems, osem = sems[:NCHUNK], sems[NCHUNK]
    wid = lax.axis_index("s") * NUM_CORES + lax.axis_index("c")
    base = wid * S_PER_W
    lanes = lax.iota(jnp.int32, L)

    pltpu.sync_copy(tok_hbm.at[pl.ds(base * TOKEN_BITS, S_PER_W * TOKEN_BITS)],
                    tok_v)

    def addr_body(j, acc):
        bit = plsc.load_gather(tok_v, [lanes * TOKEN_BITS + j])
        return acc * 2 + bit

    addr = lax.fori_loop(0, TOKEN_BITS, addr_body, jnp.zeros((L,), jnp.int32))
    addr_v[pl.ds(0, S_PER_W)] = addr
    addr_v[pl.ds(S_PER_W, S_PER_W)] = addr

    gathers = []
    for c in range(NCHUNK):
        for t in range(POS_PER_CHUNK):
            i = POS_PER_CHUNK * c + t
            ai = plsc.load_gather(
                addr_v, [jnp.full((L,), S_PER_W + i, jnp.int32)])

            def chunk_body(k, _):
                e = lanes + L * k
                idx_v[pl.ds(EMBED_BITS * i + L * k, L)] = ai + e * TABLE_SIZE
                return 0

            lax.fori_loop(0, EMBED_BITS // L, chunk_body, 0)
        gathers.append(pltpu.async_copy(
            tbl_hbm.at[idx_v.at[pl.ds(c * CHUNK, CHUNK)]],
            g_v.at[pl.ds(c * CHUNK, CHUNK)], gsems[c]))

    outs = []
    for c in range(NCHUNK):
        gathers[c].wait()
        for t in range(POS_PER_CHUNK):
            i = POS_PER_CHUNK * c + t
            pos = jnp.broadcast_to(base + i, (L,)).astype(jnp.int32)

            def xor_body(k, _):
                e = lanes + L * k
                shift = (POS_BITS - 1) - (e % POS_BITS)
                p = ((pos >> shift) & 1).astype(jnp.float32)
                off = EMBED_BITS * i + L * k
                b = g_v[pl.ds(off, L)]
                g_v[pl.ds(off, L)] = b * (1.0 - 2.0 * p) + p
                return 0

            lax.fori_loop(0, EMBED_BITS // L, xor_body, 0)
        outs.append(pltpu.async_copy(
            g_v.at[pl.ds(c * CHUNK, CHUNK)],
            out_hbm.at[pl.ds(wid * ELEMS + c * CHUNK, CHUNK)], osem))
    for o in outs:
        o.wait()


def kernel(tokens, table):
    out = _ram_embed(tokens.reshape(-1), table.reshape(-1))
    return out.reshape(SEQ_LEN, EMBED_BITS)

# --- scband reference (transcript-rebuilt; emitter-appended) ---
"""Pipeline reference for scband-ramembedding-18691697672527 (READ-ONLY COPY).

The authoritative reference and input builder live on the scoring server;
editing this copy changes nothing except your own understanding.
"""

import jax, jax.numpy as jnp
import numpy as np

TOKEN_BITS = 12
EMBED_BITS = 64
MAX_SEQ_LEN = 512
SEQ_LEN = 512
POS_BITS = 10  # (512).bit_length()


def setup_inputs(seed: int = 0) -> dict:
    key = jax.random.key(seed)
    k1, k2 = jax.random.split(key)
    # each token is a vector of TOKEN_BITS binary values
    tokens = jax.random.randint(k1, (SEQ_LEN, TOKEN_BITS), 0, 2).astype(jnp.int32)
    # RAMLayer lookup table: for DIRECT strategy with n_bits_per_neuron == token_bits,
    # every neuron addresses the full 2^TOKEN_BITS table -> [EMBED_BITS, 2^TOKEN_BITS] bits
    table = jax.random.bernoulli(k2, 0.5, (EMBED_BITS, 2 ** TOKEN_BITS)).astype(jnp.float32)
    return {"tokens": tokens, "table": table}


def _xor(a, b):
    # XOR on {0,1} values, expressed arithmetically (exact for binary inputs)
    return a + b - 2.0 * a * b


def reference(tokens, table):
    # --- RAMLayer token embedding (DIRECT strategy) ---
    # address = big-endian integer formed from the token bits
    powers = (2 ** jnp.arange(TOKEN_BITS - 1, -1, -1)).astype(jnp.int32)
    addr = jnp.sum(tokens * powers[None, :], axis=1)  # [S]
    # gather one bit per neuron from its RAM table -> embedding bits
    embeds = jnp.take(table, addr, axis=1).T  # [S, EMBED_BITS]

    # --- BINARY position encoding (add_position=True) ---
    positions = jnp.arange(SEQ_LEN)
    shifts = jnp.arange(POS_BITS - 1, -1, -1)  # big-endian bit order
    pos_bits = ((positions[:, None] >> shifts[None, :]) & 1).astype(table.dtype)  # [S, POS_BITS]
    repeats = EMBED_BITS // POS_BITS + 1
    pos_ext = jnp.tile(pos_bits, (1, repeats))[:, :EMBED_BITS]  # [S, EMBED_BITS]

    # embed ^ pos_extended for every position in the sequence
    out = _xor(embeds, pos_ext)
    return out

if __name__ == "__main__":
    import jax
    _d = setup_inputs()
    print(jax.jit(kernel)(*tuple(_d.values())))

</pallas_src>

<mosaic_0001>
#map = affine_map<(d0, d1) -> (0)>
module attributes {stable_mosaic.version = 14 : i64} {
  func.func @_ram_embed(%arg0: i32, %arg1: i32, %arg2: memref<6144xi32, #tpu.memory_space<hbm>>, %arg3: memref<262144xf32, #tpu.memory_space<hbm>>, %arg4: memref<32768xf32, #tpu.memory_space<hbm>>, %arg5: memref<192xi32, #tpu.memory_space<vmem>>, %arg6: memref<32xi32, #tpu.memory_space<vmem>>, %arg7: memref<1024xi32, #tpu.memory_space<vmem>>, %arg8: memref<1024xf32, #tpu.memory_space<vmem>>, %arg9: memref<!tpu.dma_semaphore, #tpu.memory_space<semaphore_mem>>, %arg10: memref<!tpu.dma_semaphore, #tpu.memory_space<semaphore_mem>>, %arg11: memref<!tpu.dma_semaphore, #tpu.memory_space<semaphore_mem>>, %arg12: memref<!tpu.dma_semaphore, #tpu.memory_space<semaphore_mem>>, %arg13: memref<!tpu.dma_semaphore, #tpu.memory_space<semaphore_mem>>, %arg14: memref<!tpu.dma_semaphore, #tpu.memory_space<semaphore_mem>>, %arg15: memref<!tpu.dma_semaphore, #tpu.memory_space<semaphore_mem>>, %arg16: memref<!tpu.dma_semaphore, #tpu.memory_space<semaphore_mem>>, %arg17: memref<!tpu.dma_semaphore, #tpu.memory_space<semaphore_mem>>) attributes {dimension_semantics = [#tpu.dimension_semantics<core_parallel>, #tpu.dimension_semantics<subcore_parallel>], iteration_bounds = array<i64: 2, 16>, scalar_prefetch = 0 : i64, scratch_operands = 13 : i64, tpu.core_type = #tpu.core_type<sc_vector_subcore>, window_params = [{transform_indices = #map}, {transform_indices = #map}, {transform_indices = #map}]} {
    %mul3A = arith.constant 2 : i32
    %mul3A_0 = arith.muli %arg1, %mul3A : i32
    %add3A = arith.addi %mul3A_0, %arg0 : i32
    %mul3A_1 = arith.constant 16 : i32
    %mul3A_2 = arith.muli %add3A, %mul3A_1 : i32
    %iota3A = tpu.iota {dimensions = array<i32: 0>} : vector<16xi32>
    %mul3A_3 = arith.constant 12 : i32
    %mul3A_4 = arith.muli %mul3A_2, %mul3A_3 : i32
    "tpu.region"() ({
      %run_scoped3A = tpu.sem_alloc : memref<!tpu.dma_semaphore, #tpu.memory_space<semaphore_mem>>
      %dma_start3A_555 = tpu.memref_slice %arg2[%mul3A_4] : memref<6144xi32, #tpu.memory_space<hbm>> -> memref<192xi32, #tpu.memory_space<hbm>>
      %dma_start3A_556 = tpu.memref_slice %arg2[%mul3A_4] : memref<6144xi32, #tpu.memory_space<hbm>> -> memref<192xi32, #tpu.memory_space<hbm>>
      tpu.enqueue_dma source(%dma_start3A_556 : memref<192xi32, #tpu.memory_space<hbm>>) target(%arg5 : memref<192xi32, #tpu.memory_space<vmem>>) target_semaphore(%run_scoped3A : memref<!tpu.dma_semaphore, #tpu.memory_space<semaphore_mem>>)
      %dma_wait3A_557 = tpu.memref_slice %arg2[%mul3A_4] : memref<6144xi32, #tpu.memory_space<hbm>> -> memref<192xi32, #tpu.memory_space<hbm>>
      %dma_wait3A_558 = tpu.memref_slice %arg2[%mul3A_4] : memref<6144xi32, #tpu.memory_space<hbm>> -> memref<192xi32, #tpu.memory_space<hbm>>
      tpu.wait_dma2 semaphore(%run_scoped3A : memref<!tpu.dma_semaphore, #tpu.memory_space<semaphore_mem>>) src(%dma_wait3A_558 : memref<192xi32, #tpu.memory_space<hbm>>) dst(%arg5 : memref<192xi32, #tpu.memory_space<vmem>>)
      tpu.yield
    }) : () -> ()
    %broadcast_in_dim3A = arith.constant 0 : i32
    %broadcast_in_dim3A_5 = vector.broadcast %broadcast_in_dim3A : i32 to vector<16xi32>
    %scan3A = arith.constant 0 : i32
    %scan3A_6 = arith.constant 12 : i32
    %scan3A_7 = arith.addi %scan3A, %scan3A_6 : i32
    %scan3A_8 = arith.constant 1 : i32
    %scan3A_9 = scf.for %scan3A_555 = %scan3A to %scan3A_7 step %scan3A_8 iter_args(%scan3A_556 = %broadcast_in_dim3A_5) -> (vector<16xi32>)  : i32 {
      %mul3A_557 = arith.constant 12 : i32
      %mul3A_558 = vector.broadcast %mul3A_557 : i32 to vector<16xi32>
      %mul3A_559 = arith.muli %iota3A, %mul3A_558 : vector<16xi32>
      %add3A_560 = vector.broadcast %scan3A_555 : i32 to vector<16xi32>
      %add3A_561 = arith.addi %mul3A_559, %add3A_560 : vector<16xi32>
      %gather3A_562 = tpu.vector_load_idx %arg5[%add3A_561] : memref<192xi32, #tpu.memory_space<vmem>>[vector<16xi32>], vector<16xi32>,
      %mul3A_563 = arith.constant 2 : i32
      %mul3A_564 = vector.broadcast %mul3A_563 : i32 to vector<16xi32>
      %mul3A_565 = arith.muli %scan3A_556, %mul3A_564 : vector<16xi32>
      %add3A_566 = arith.addi %mul3A_565, %gather3A_562 : vector<16xi32>
      scf.yield %add3A_566 : vector<16xi32>
    }
    %scan3A_10 = arith.constant 12 : i32
    %swap3A = arith.constant 0 : index
    %swap3A_11 = tpu.vector_load %arg6[%swap3A] {strides = array<i32>} : memref<32xi32, #tpu.memory_space<vmem>>, vector<16xi32>,
    tpu.vector_store %arg6[%swap3A], %scan3A_9 {strides = array<i32>} : memref<32xi32, #tpu.memory_space<vmem>>, vector<16xi32>,
    %swap3A_12 = arith.constant 16 : index
    %swap3A_13 = tpu.vector_load %arg6[%swap3A_12] {strides = array<i32>} : memref<32xi32, #tpu.memory_space<vmem>>, vector<16xi32>,
    tpu.vector_store %arg6[%swap3A_12], %scan3A_9 {strides = array<i32>} : memref<32xi32, #tpu.memory_space<vmem>>, vector<16xi32>,
    %broadcast_in_dim3A_14 = arith.constant 16 : i32
    %broadcast_in_dim3A_15 = vector.broadcast %broadcast_in_dim3A_14 : i32 to vector<16xi32>
    %gather3A = tpu.vector_load_idx %arg6[%broadcast_in_dim3A_15] : memref<32xi32, #tpu.memory_space<vmem>>[vector<16xi32>], vector<16xi32>,
    %scan3A_16 = arith.constant 0 : i32
    %scan3A_17 = arith.constant 0 : i32
    %scan3A_18 = arith.constant 4 : i32
    %scan3A_19 = arith.addi %scan3A_17, %scan3A_18 : i32
    %scan3A_20 = arith.constant 1 : i32
    %scan3A_21 = scf.for %scan3A_555 = %scan3A_17 to %scan3A_19 step %scan3A_20 iter_args(%scan3A_556 = %scan3A_16) -> (i32)  : i32 {
      %mul3A_557 = arith.constant 16 : i32
      %mul3A_558 = arith.muli %mul3A_557, %scan3A_555 : i32
      %add3A_559 = vector.broadcast %mul3A_558 : i32 to vector<16xi32>
      %add3A_560 = arith.addi %iota3A, %add3A_559 : vector<16xi32>
      %mul3A_561 = arith.constant 4096 : i32
      %mul3A_562 = vector.broadcast %mul3A_561 : i32 to vector<16xi32>
      %mul3A_563 = arith.muli %add3A_560, %mul3A_562 : vector<16xi32>
      %add3A_564 = arith.addi %gather3A, %mul3A_563 : vector<16xi32>
      %mul3A_565 = arith.constant 16 : i32
      %mul3A_566 = arith.muli %mul3A_565, %scan3A_555 : i32
      %add3A_567 = arith.constant 0 : i32
      %add3A_568 = arith.addi %add3A_567, %mul3A_566 : i32
      %swap3A_569 = arith.index_cast %add3A_568 : i32 to index
      %swap3A_570 = tpu.vector_load %arg7[%swap3A_569] {strides = array<i32>} : memref<1024xi32, #tpu.memory_space<vmem>>, vector<16xi32>,
      tpu.vector_store %arg7[%swap3A_569], %add3A_564 {strides = array<i32>} : memref<1024xi32, #tpu.memory_space<vmem>>, vector<16xi32>,
      %scan3A_571 = arith.constant 0 : i32
      scf.yield %scan3A_571 : i32
    }
    %scan3A_22 = arith.constant 4 : i32
    %broadcast_in_dim3A_23 = arith.constant 17 : i32
    %broadcast_in_dim3A_24 = vector.broadcast %broadcast_in_dim3A_23 : i32 to vector<16xi32>
    %gather3A_25 = tpu.vector_load_idx %arg6[%broadcast_in_dim3A_24] : memref<32xi32, #tpu.memory_space<vmem>>[vector<16xi32>], vector<16xi32>,
    %scan3A_26 = arith.constant 0 : i32
    %scan3A_27 = arith.constant 0 : i32
    %scan3A_28 = arith.constant 4 : i32
    %scan3A_29 = arith.addi %scan3A_27, %scan3A_28 : i32
    %scan3A_30 = arith.constant 1 : i32
    %scan3A_31 = scf.for %scan3A_555 = %scan3A_27 to %scan3A_29 step %scan3A_30 iter_args(%scan3A_556 = %scan3A_26) -> (i32)  : i32 {
      %mul3A_557 = arith.constant 16 : i32
      %mul3A_558 = arith.muli %mul3A_557, %scan3A_555 : i32
      %add3A_559 = vector.broadcast %mul3A_558 : i32 to vector<16xi32>
      %add3A_560 = arith.addi %iota3A, %add3A_559 : vector<16xi32>
      %mul3A_561 = arith.constant 4096 : i32
      %mul3A_562 = vector.broadcast %mul3A_561 : i32 to vector<16xi32>
      %mul3A_563 = arith.muli %add3A_560, %mul3A_562 : vector<16xi32>
      %add3A_564 = arith.addi %gather3A_25, %mul3A_563 : vector<16xi32>
      %mul3A_565 = arith.constant 16 : i32
      %mul3A_566 = arith.muli %mul3A_565, %scan3A_555 : i32
      %add3A_567 = arith.constant 64 : i32
      %add3A_568 = arith.addi %add3A_567, %mul3A_566 : i32
      %swap3A_569 = arith.index_cast %add3A_568 : i32 to index
      %swap3A_570 = tpu.vector_load %arg7[%swap3A_569] {strides = array<i32>} : memref<1024xi32, #tpu.memory_space<vmem>>, vector<16xi32>,
      tpu.vector_store %arg7[%swap3A_569], %add3A_564 {strides = array<i32>} : memref<1024xi32, #tpu.memory_space<vmem>>, vector<16xi32>,
      %scan3A_571 = arith.constant 0 : i32
      scf.yield %scan3A_571 : i32
    }
    %scan3A_32 = arith.constant 4 : i32
    %dma_start3A = arith.constant 0 : i32
    %dma_start3A_33 = tpu.memref_slice %arg8[%dma_start3A] : memref<1024xf32, #tpu.memory_space<vmem>> -> memref<128xf32, #tpu.memory_space<vmem>>
    %dma_start3A_34 = arith.constant 0 : i32
    %dma_start3A_35 = tpu.memref_slice %arg7[%dma_start3A_34] : memref<1024xi32, #tpu.memory_space<vmem>> -> memref<128xi32, #tpu.memory_space<vmem>>
    %dma_start3A_36 = arith.constant 0 : i32
    %dma_start3A_37 = tpu.memref_slice %arg3[%dma_start3A_36] : memref<262144xf32, #tpu.memory_space<hbm>> -> memref<262144xf32, #tpu.memory_space<hbm>>
    tpu.enqueue_indirect_dma source(%dma_start3A_37 : memref<262144xf32, #tpu.memory_space<hbm>>) target(%dma_start3A_33 : memref<128xf32, #tpu.memory_space<vmem>>) offsets(%dma_start3A_35 : memref<128xi32, #tpu.memory_space<vmem>>) semaphore(%arg9 : memref<!tpu.dma_semaphore, #tpu.memory_space<semaphore_mem>>)
    %broadcast_in_dim3A_38 = arith.constant 18 : i32
    %broadcast_in_dim3A_39 = vector.broadcast %broadcast_in_dim3A_38 : i32 to vector<16xi32>
    %gather3A_40 = tpu.vector_load_idx %arg6[%broadcast_in_dim3A_39] : memref<32xi32, #tpu.memory_space<vmem>>[vector<16xi32>], vector<16xi32>,
    %scan3A_41 = arith.constant 0 : i32
    %scan3A_42 = arith.constant 0 : i32
    %scan3A_43 = arith.constant 4 : i32
    %scan3A_44 = arith.addi %scan3A_42, %scan3A_43 : i32
    %scan3A_45 = arith.constant 1 : i32
    %scan3A_46 = scf.for %scan3A_555 = %scan3A_42 to %scan3A_44 step %scan3A_45 iter_args(%scan3A_556 = %scan3A_41) -> (i32)  : i32 {
      %mul3A_557 = arith.constant 16 : i32
      %mul3A_558 = arith.muli %mul3A_557, %scan3A_555 : i32
      %add3A_559 = vector.broadcast %mul3A_558 : i32 to vector<16xi32>
      %add3A_560 = arith.addi %iota3A, %add3A_559 : vector<16xi32>
      %mul3A_561 = arith.constant 4096 : i32
      %mul3A_562 = vector.broadcast %mul3A_561 : i32 to vector<16xi32>
      %mul3A_563 = arith.muli %add3A_560, %mul3A_562 : vector<16xi32>
      %add3A_564 = arith.addi %gather3A_40, %mul3A_563 : vector<16xi32>
      %mul3A_565 = arith.constant 16 : i32
      %mul3A_566 = arith.muli %mul3A_565, %scan3A_555 : i32
      %add3A_567 = arith.constant 128 : i32
      %add3A_568 = arith.addi %add3A_567, %mul3A_566 : i32
      %swap3A_569 = arith.index_cast %add3A_568 : i32 to index
      %swap3A_570 = tpu.vector_load %arg7[%swap3A_569] {strides = array<i32>} : memref<1024xi32, #tpu.memory_space<vmem>>, vector<16xi32>,
      tpu.vector_store %arg7[%swap3A_569], %add3A_564 {strides = array<i32>} : memref<1024xi32, #tpu.memory_space<vmem>>, vector<16xi32>,
      %scan3A_571 = arith.constant 0 : i32
      scf.yield %scan3A_571 : i32
    }
    %scan3A_47 = arith.constant 4 : i32
    %broadcast_in_dim3A_48 = arith.constant 19 : i32
    %broadcast_in_dim3A_49 = vector.broadcast %broadcast_in_dim3A_48 : i32 to vector<16xi32>
    %gather3A_50 = tpu.vector_load_idx %arg6[%broadcast_in_dim3A_49] : memref<32xi32, #tpu.memory_space<vmem>>[vector<16xi32>], vector<16xi32>,
    %scan3A_51 = arith.constant 0 : i32
    %scan3A_52 = arith.constant 0 : i32
    %scan3A_53 = arith.constant 4 : i32
    %scan3A_54 = arith.addi %scan3A_52, %scan3A_53 : i32
    %scan3A_55 = arith.constant 1 : i32
    %scan3A_56 = scf.for %scan3A_555 = %scan3A_52 to %scan3A_54 step %scan3A_55 iter_args(%scan3A_556 = %scan3A_51) -> (i32)  : i32 {
      %mul3A_557 = arith.constant 16 : i32
      %mul3A_558 = arith.muli %mul3A_557, %scan3A_555 : i32
      %add3A_559 = vector.broadcast %mul3A_558 : i32 to vector<16xi32>
      %add3A_560 = arith.addi %iota3A, %add3A_559 : vector<16xi32>
      %mul3A_561 = arith.constant 4096 : i32
      %mul3A_562 = vector.broadcast %mul3A_561 : i32 to vector<16xi32>
      %mul3A_563 = arith.muli %add3A_560, %mul3A_562 : vector<16xi32>
      %add3A_564 = arith.addi %gather3A_50, %mul3A_563 : vector<16xi32>
      %mul3A_565 = arith.constant 16 : i32
      %mul3A_566 = arith.muli %mul3A_565, %scan3A_555 : i32
      %add3A_567 = arith.constant 192 : i32
      %add3A_568 = arith.addi %add3A_567, %mul3A_566 : i32
      %swap3A_569 = arith.index_cast %add3A_568 : i32 to index
      %swap3A_570 = tpu.vector_load %arg7[%swap3A_569] {strides = array<i32>} : memref<1024xi32, #tpu.memory_space<vmem>>, vector<16xi32>,
      tpu.vector_store %arg7[%swap3A_569], %add3A_564 {strides = array<i32>} : memref<1024xi32, #tpu.memory_space<vmem>>, vector<16xi32>,
      %scan3A_571 = arith.constant 0 : i32
      scf.yield %scan3A_571 : i32
    }
    %scan3A_57 = arith.constant 4 : i32
    %dma_start3A_58 = arith.constant 128 : i32
    %dma_start3A_59 = tpu.memref_slice %arg8[%dma_start3A_58] : memref<1024xf32, #tpu.memory_space<vmem>> -> memref<128xf32, #tpu.memory_space<vmem>>
    %dma_start3A_60 = arith.constant 128 : i32
    %dma_start3A_61 = tpu.memref_slice %arg7[%dma_start3A_60] : memref<1024xi32, #tpu.memory_space<vmem>> -> memref<128xi32, #tpu.memory_space<vmem>>
    %dma_start3A_62 = arith.constant 0 : i32
    %dma_start3A_63 = tpu.memref_slice %arg3[%dma_start3A_62] : memref<262144xf32, #tpu.memory_space<hbm>> -> memref<262144xf32, #tpu.memory_space<hbm>>
    tpu.enqueue_indirect_dma source(%dma_start3A_63 : memref<262144xf32, #tpu.memory_space<hbm>>) target(%dma_start3A_59 : memref<128xf32, #tpu.memory_space<vmem>>) offsets(%dma_start3A_61 : memref<128xi32, #tpu.memory_space<vmem>>) semaphore(%arg10 : memref<!tpu.dma_semaphore, #tpu.memory_space<semaphore_mem>>)
    %broadcast_in_dim3A_64 = arith.constant 20 : i32
    %broadcast_in_dim3A_65 = vector.broadcast %broadcast_in_dim3A_64 : i32 to vector<16xi32>
    %gather3A_66 = tpu.vector_load_idx %arg6[%broadcast_in_dim3A_65] : memref<32xi32, #tpu.memory_space<vmem>>[vector<16xi32>], vector<16xi32>,
    %scan3A_67 = arith.constant 0 : i32
    %scan3A_68 = arith.constant 0 : i32
    %scan3A_69 = arith.constant 4 : i32
    %scan3A_70 = arith.addi %scan3A_68, %scan3A_69 : i32
    %scan3A_71 = arith.constant 1 : i32
    %scan3A_72 = scf.for %scan3A_555 = %scan3A_68 to %scan3A_70 step %scan3A_71 iter_args(%scan3A_556 = %scan3A_67) -> (i32)  : i32 {
      %mul3A_557 = arith.constant 16 : i32
      %mul3A_558 = arith.muli %mul3A_557, %scan3A_555 : i32
      %add3A_559 = vector.broadcast %mul3A_558 : i32 to vector<16xi32>
      %add3A_560 = arith.addi %iota3A, %add3A_559 : vector<16xi32>
      %mul3A_561 = arith.constant 4096 : i32
      %mul3A_562 = vector.broadcast %mul3A_561 : i32 to vector<16xi32>
      %mul3A_563 = arith.muli %add3A_560, %mul3A_562 : vector<16xi32>
      %add3A_564 = arith.addi %gather3A_66, %mul3A_563 : vector<16xi32>
      %mul3A_565 = arith.constant 16 : i32
      %mul3A_566 = arith.muli %mul3A_565, %scan3A_555 : i32
      %add3A_567 = arith.constant 256 : i32
      %add3A_568 = arith.addi %add3A_567, %mul3A_566 : i32
      %swap3A_569 = arith.index_cast %add3A_568 : i32 to index
      %swap3A_570 = tpu.vector_load %arg7[%swap3A_569] {strides = array<i32>} : memref<1024xi32, #tpu.memory_space<vmem>>, vector<16xi32>,
      tpu.vector_store %arg7[%swap3A_569], %add3A_564 {strides = array<i32>} : memref<1024xi32, #tpu.memory_space<vmem>>, vector<16xi32>,
      %scan3A_571 = arith.constant 0 : i32
      scf.yield %scan3A_571 : i32
    }
    %scan3A_73 = arith.constant 4 : i32
    %broadcast_in_dim3A_74 = arith.constant 21 : i32
    %broadcast_in_dim3A_75 = vector.broadcast %broadcast_in_dim3A_74 : i32 to vector<16xi32>
    %gather3A_76 = tpu.vector_load_idx %arg6[%broadcast_in_dim3A_75] : memref<32xi32, #tpu.memory_space<vmem>>[vector<16xi32>], vector<16xi32>,
    %scan3A_77 = arith.constant 0 : i32
    %scan3A_78 = arith.constant 0 : i32
    %scan3A_79 = arith.constant 4 : i32
    %scan3A_80 = arith.addi %scan3A_78, %scan3A_79 : i32
    %scan3A_81 = arith.constant 1 : i32
    %scan3A_82 = scf.for %scan3A_555 = %scan3A_78 to %scan3A_80 step %scan3A_81 iter_args(%scan3A_556 = %scan3A_77) -> (i32)  : i32 {
      %mul3A_557 = arith.constant 16 : i32
      %mul3A_558 = arith.muli %mul3A_557, %scan3A_555 : i32
      %add3A_559 = vector.broadcast %mul3A_558 : i32 to vector<16xi32>
      %add3A_560 = arith.addi %iota3A, %add3A_559 : vector<16xi32>
      %mul3A_561 = arith.constant 4096 : i32
      %mul3A_562 = vector.broadcast %mul3A_561 : i32 to vector<16xi32>
      %mul3A_563 = arith.muli %add3A_560, %mul3A_562 : vector<16xi32>
      %add3A_564 = arith.addi %gather3A_76, %mul3A_563 : vector<16xi32>
      %mul3A_565 = arith.constant 16 : i32
      %mul3A_566 = arith.muli %mul3A_565, %scan3A_555 : i32
      %add3A_567 = arith.constant 320 : i32
      %add3A_568 = arith.addi %add3A_567, %mul3A_566 : i32
      %swap3A_569 = arith.index_cast %add3A_568 : i32 to index
      %swap3A_570 = tpu.vector_load %arg7[%swap3A_569] {strides = array<i32>} : memref<1024xi32, #tpu.memory_space<vmem>>, vector<16xi32>,
      tpu.vector_store %arg7[%swap3A_569], %add3A_564 {strides = array<i32>} : memref<1024xi32, #tpu.memory_space<vmem>>, vector<16xi32>,
      %scan3A_571 = arith.constant 0 : i32
      scf.yield %scan3A_571 : i32
    }
    %scan3A_83 = arith.constant 4 : i32
    %dma_start3A_84 = arith.constant 256 : i32
    %dma_start3A_85 = tpu.memref_slice %arg8[%dma_start3A_84] : memref<1024xf32, #tpu.memory_space<vmem>> -> memref<128xf32, #tpu.memory_space<vmem>>
    %dma_start3A_86 = arith.constant 256 : i32
    %dma_start3A_87 = tpu.memref_slice %arg7[%dma_start3A_86] : memref<1024xi32, #tpu.memory_space<vmem>> -> memref<128xi32, #tpu.memory_space<vmem>>
    %dma_start3A_88 = arith.constant 0 : i32
    %dma_start3A_89 = tpu.memref_slice %arg3[%dma_start3A_88] : memref<262144xf32, #tpu.memory_space<hbm>> -> memref<262144xf32, #tpu.memory_space<hbm>>
    tpu.enqueue_indirect_dma source(%dma_start3A_89 : memref<262144xf32, #tpu.memory_space<hbm>>) target(%dma_start3A_85 : memref<128xf32, #tpu.memory_space<vmem>>) offsets(%dma_start3A_87 : memref<128xi32, #tpu.memory_space<vmem>>) semaphore(%arg11 : memref<!tpu.dma_semaphore, #tpu.memory_space<semaphore_mem>>)
    %broadcast_in_dim3A_90 = arith.constant 22 : i32
    %broadcast_in_dim3A_91 = vector.broadcast %broadcast_in_dim3A_90 : i32 to vector<16xi32>
    %gather3A_92 = tpu.vector_load_idx %arg6[%broadcast_in_dim3A_91] : memref<32xi32, #tpu.memory_space<vmem>>[vector<16xi32>], vector<16xi32>,
    %scan3A_93 = arith.constant 0 : i32
    %scan3A_94 = arith.constant 0 : i32
    %scan3A_95 = arith.constant 4 : i32
    %scan3A_96 = arith.addi %scan3A_94, %scan3A_95 : i32
    %scan3A_97 = arith.constant 1 : i32
    %scan3A_98 = scf.for %scan3A_555 = %scan3A_94 to %scan3A_96 step %scan3A_97 iter_args(%scan3A_556 = %scan3A_93) -> (i32)  : i32 {
      %mul3A_557 = arith.constant 16 : i32
      %mul3A_558 = arith.muli %mul3A_557, %scan3A_555 : i32
      %add3A_559 = vector.broadcast %mul3A_558 : i32 to vector<16xi32>
      %add3A_560 = arith.addi %iota3A, %add3A_559 : vector<16xi32>
      %mul3A_561 = arith.constant 4096 : i32
      %mul3A_562 = vector.broadcast %mul3A_561 : i32 to vector<16xi32>
      %mul3A_563 = arith.muli %add3A_560, %mul3A_562 : vector<16xi32>
      %add3A_564 = arith.addi %gather3A_92, %mul3A_563 : vector<16xi32>
      %mul3A_565 = arith.constant 16 : i32
      %mul3A_566 = arith.muli %mul3A_565, %scan3A_555 : i32
      %add3A_567 = arith.constant 384 : i32
      %add3A_568 = arith.addi %add3A_567, %mul3A_566 : i32
      %swap3A_569 = arith.index_cast %add3A_568 : i32 to index
      %swap3A_570 = tpu.vector_load %arg7[%swap3A_569] {strides = array<i32>} : memref<1024xi32, #tpu.memory_space<vmem>>, vector<16xi32>,
      tpu.vector_store %arg7[%swap3A_569], %add3A_564 {strides = array<i32>} : memref<1024xi32, #tpu.memory_space<vmem>>, vector<16xi32>,
      %scan3A_571 = arith.constant 0 : i32
      scf.yield %scan3A_571 : i32
    }
    %scan3A_99 = arith.constant 4 : i32
    %broadcast_in_dim3A_100 = arith.constant 23 : i32
    %broadcast_in_dim3A_101 = vector.broadcast %broadcast_in_dim3A_100 : i32 to vector<16xi32>
    %gather3A_102 = tpu.vector_load_idx %arg6[%broadcast_in_dim3A_101] : memref<32xi32, #tpu.memory_space<vmem>>[vector<16xi32>], vector<16xi32>,
    %scan3A_103 = arith.constant 0 : i32
    %scan3A_104 = arith.constant 0 : i32
    %scan3A_105 = arith.constant 4 : i32
    %scan3A_106 = arith.addi %scan3A_104, %scan3A_105 : i32
    %scan3A_107 = arith.constant 1 : i32
    %scan3A_108 = scf.for %scan3A_555 = %scan3A_104 to %scan3A_106 step %scan3A_107 iter_args(%scan3A_556 = %scan3A_103) -> (i32)  : i32 {
      %mul3A_557 = arith.constant 16 : i32
      %mul3A_558 = arith.muli %mul3A_557, %scan3A_555 : i32
      %add3A_559 = vector.broadcast %mul3A_558 : i32 to vector<16xi32>
      %add3A_560 = arith.addi %iota3A, %add3A_559 : vector<16xi32>
      %mul3A_561 = arith.constant 4096 : i32
      %mul3A_562 = vector.broadcast %mul3A_561 : i32 to vector<16xi32>
      %mul3A_563 = arith.muli %add3A_560, %mul3A_562 : vector<16xi32>
      %add3A_564 = arith.addi %gather3A_102, %mul3A_563 : vector<16xi32>
      %mul3A_565 = arith.constant 16 : i32
      %mul3A_566 = arith.muli %mul3A_565, %scan3A_555 : i32
      %add3A_567 = arith.constant 448 : i32
      %add3A_568 = arith.addi %add3A_567, %mul3A_566 : i32
      %swap3A_569 = arith.index_cast %add3A_568 : i32 to index
      %swap3A_570 = tpu.vector_load %arg7[%swap3A_569] {strides = array<i32>} : memref<1024xi32, #tpu.memory_space<vmem>>, vector<16xi32>,
      tpu.vector_store %arg7[%swap3A_569], %add3A_564 {strides = array<i32>} : memref<1024xi32, #tpu.memory_space<vmem>>, vector<16xi32>,
      %scan3A_571 = arith.constant 0 : i32
      scf.yield %scan3A_571 : i32
    }
    %scan3A_109 = arith.constant 4 : i32
    %dma_start3A_110 = arith.constant 384 : i32
    %dma_start3A_111 = tpu.memref_slice %arg8[%dma_start3A_110] : memref<1024xf32, #tpu.memory_space<vmem>> -> memref<128xf32, #tpu.memory_space<vmem>>
    %dma_start3A_112 = arith.constant 384 : i32
    %dma_start3A_113 = tpu.memref_slice %arg7[%dma_start3A_112] : memref<1024xi32, #tpu.memory_space<vmem>> -> memref<128xi32, #tpu.memory_space<vmem>>
    %dma_start3A_114 = arith.constant 0 : i32
    %dma_start3A_115 = tpu.memref_slice %arg3[%dma_start3A_114] : memref<262144xf32, #tpu.memory_space<hbm>> -> memref<262144xf32, #tpu.memory_space<hbm>>
    tpu.enqueue_indirect_dma source(%dma_start3A_115 : memref<262144xf32, #tpu.memory_space<hbm>>) target(%dma_start3A_111 : memref<128xf32, #tpu.memory_space<vmem>>) offsets(%dma_start3A_113 : memref<128xi32, #tpu.memory_space<vmem>>) semaphore(%arg12 : memref<!tpu.dma_semaphore, #tpu.memory_space<semaphore_mem>>)
    %broadcast_in_dim3A_116 = arith.constant 24 : i32
    %broadcast_in_dim3A_117 = vector.broadcast %broadcast_in_dim3A_116 : i32 to vector<16xi32>
    %gather3A_118 = tpu.vector_load_idx %arg6[%broadcast_in_dim3A_117] : memref<32xi32, #tpu.memory_space<vmem>>[vector<16xi32>], vector<16xi32>,
    %scan3A_119 = arith.constant 0 : i32
    %scan3A_120 = arith.constant 0 : i32
    %scan3A_121 = arith.constant 4 : i32
    %scan3A_122 = arith.addi %scan3A_120, %scan3A_121 : i32
    %scan3A_123 = arith.constant 1 : i32
    %scan3A_124 = scf.for %scan3A_555 = %scan3A_120 to %scan3A_122 step %scan3A_123 iter_args(%scan3A_556 = %scan3A_119) -> (i32)  : i32 {
      %mul3A_557 = arith.constant 16 : i32
      %mul3A_558 = arith.muli %mul3A_557, %scan3A_555 : i32
      %add3A_559 = vector.broadcast %mul3A_558 : i32 to vector<16xi32>
      %add3A_560 = arith.addi %iota3A, %add3A_559 : vector<16xi32>
      %mul3A_561 = arith.constant 4096 : i32
      %mul3A_562 = vector.broadcast %mul3A_561 : i32 to vector<16xi32>
      %mul3A_563 = arith.muli %add3A_560, %mul3A_562 : vector<16xi32>
      %add3A_564 = arith.addi %gather3A_118, %mul3A_563 : vector<16xi32>
      %mul3A_565 = arith.constant 16 : i32
      %mul3A_566 = arith.muli %mul3A_565, %scan3A_555 : i32
      %add3A_567 = arith.constant 512 : i32
      %add3A_568 = arith.addi %add3A_567, %mul3A_566 : i32
      %swap3A_569 = arith.index_cast %add3A_568 : i32 to index
      %swap3A_570 = tpu.vector_load %arg7[%swap3A_569] {strides = array<i32>} : memref<1024xi32, #tpu.memory_space<vmem>>, vector<16xi32>,
      tpu.vector_store %arg7[%swap3A_569], %add3A_564 {strides = array<i32>} : memref<1024xi32, #tpu.memory_space<vmem>>, vector<16xi32>,
      %scan3A_571 = arith.constant 0 : i32
      scf.yield %scan3A_571 : i32
    }
    %scan3A_125 = arith.constant 4 : i32
    %broadcast_in_dim3A_126 = arith.constant 25 : i32
    %broadcast_in_dim3A_127 = vector.broadcast %broadcast_in_dim3A_126 : i32 to vector<16xi32>
    %gather3A_128 = tpu.vector_load_idx %arg6[%broadcast_in_dim3A_127] : memref<32xi32, #tpu.memory_space<vmem>>[vector<16xi32>], vector<16xi32>,
    %scan3A_129 = arith.constant 0 : i32
    %scan3A_130 = arith.constant 0 : i32
    %scan3A_131 = arith.constant 4 : i32
    %scan3A_132 = arith.addi %scan3A_130, %scan3A_131 : i32
    %scan3A_133 = arith.constant 1 : i32
    %scan3A_134 = scf.for %scan3A_555 = %scan3A_130 to %scan3A_132 step %scan3A_133 iter_args(%scan3A_556 = %scan3A_129) -> (i32)  : i32 {
      %mul3A_557 = arith.constant 16 : i32
      %mul3A_558 = arith.muli %mul3A_557, %scan3A_555 : i32
      %add3A_559 = vector.broadcast %mul3A_558 : i32 to vector<16xi32>
      %add3A_560 = arith.addi %iota3A, %add3A_559 : vector<16xi32>
      %mul3A_561 = arith.constant 4096 : i32
      %mul3A_562 = vector.broadcast %mul3A_561 : i32 to vector<16xi32>
      %mul3A_563 = arith.muli %add3A_560, %mul3A_562 : vector<16xi32>
      %add3A_564 = arith.addi %gather3A_128, %mul3A_563 : vector<16xi32>
      %mul3A_565 = arith.constant 16 : i32
      %mul3A_566 = arith.muli %mul3A_565, %scan3A_555 : i32
      %add3A_567 = arith.constant 576 : i32
      %add3A_568 = arith.addi %add3A_567, %mul3A_566 : i32
      %swap3A_569 = arith.index_cast %add3A_568 : i32 to index
      %swap3A_570 = tpu.vector_load %arg7[%swap3A_569] {strides = array<i32>} : memref<1024xi32, #tpu.memory_space<vmem>>, vector<16xi32>,
      tpu.vector_store %arg7[%swap3A_569], %add3A_564 {strides = array<i32>} : memref<1024xi32, #tpu.memory_space<vmem>>, vector<16xi32>,
      %scan3A_571 = arith.constant 0 : i32
      scf.yield %scan3A_571 : i32
    }
    %scan3A_135 = arith.constant 4 : i32
    %dma_start3A_136 = arith.constant 512 : i32
    %dma_start3A_137 = tpu.memref_slice %arg8[%dma_start3A_136] : memref<1024xf32, #tpu.memory_space<vmem>> -> memref<128xf32, #tpu.memory_space<vmem>>
    %dma_start3A_138 = arith.constant 512 : i32
    %dma_start3A_139 = tpu.memref_slice %arg7[%dma_start3A_138] : memref<1024xi32, #tpu.memory_space<vmem>> -> memref<128xi32, #tpu.memory_space<vmem>>
    %dma_start3A_140 = arith.constant 0 : i32
    %dma_start3A_141 = tpu.memref_slice %arg3[%dma_start3A_140] : memref<262144xf32, #tpu.memory_space<hbm>> -> memref<262144xf32, #tpu.memory_space<hbm>>
    tpu.enqueue_indirect_dma source(%dma_start3A_141 : memref<262144xf32, #tpu.memory_space<hbm>>) target(%dma_start3A_137 : memref<128xf32, #tpu.memory_space<vmem>>) offsets(%dma_start3A_139 : memref<128xi32, #tpu.memory_space<vmem>>) semaphore(%arg13 : memref<!tpu.dma_semaphore, #tpu.memory_space<semaphore_mem>>)
    %broadcast_in_dim3A_142 = arith.constant 26 : i32
    %broadcast_in_dim3A_143 = vector.broadcast %broadcast_in_dim3A_142 : i32 to vector<16xi32>
    %gather3A_144 = tpu.vector_load_idx %arg6[%broadcast_in_dim3A_143] : memref<32xi32, #tpu.memory_space<vmem>>[vector<16xi32>], vector<16xi32>,
    %scan3A_145 = arith.constant 0 : i32
    %scan3A_146 = arith.constant 0 : i32
    %scan3A_147 = arith.constant 4 : i32
    %scan3A_148 = arith.addi %scan3A_146, %scan3A_147 : i32
    %scan3A_149 = arith.constant 1 : i32
    %scan3A_150 = scf.for %scan3A_555 = %scan3A_146 to %scan3A_148 step %scan3A_149 iter_args(%scan3A_556 = %scan3A_145) -> (i32)  : i32 {
      %mul3A_557 = arith.constant 16 : i32
      %mul3A_558 = arith.muli %mul3A_557, %scan3A_555 : i32
      %add3A_559 = vector.broadcast %mul3A_558 : i32 to vector<16xi32>
      %add3A_560 = arith.addi %iota3A, %add3A_559 : vector<16xi32>
      %mul3A_561 = arith.constant 4096 : i32
      %mul3A_562 = vector.broadcast %mul3A_561 : i32 to vector<16xi32>
      %mul3A_563 = arith.muli %add3A_560, %mul3A_562 : vector<16xi32>
      %add3A_564 = arith.addi %gather3A_144, %mul3A_563 : vector<16xi32>
      %mul3A_565 = arith.constant 16 : i32
      %mul3A_566 = arith.muli %mul3A_565, %scan3A_555 : i32
      %add3A_567 = arith.constant 640 : i32
      %add3A_568 = arith.addi %add3A_567, %mul3A_566 : i32
      %swap3A_569 = arith.index_cast %add3A_568 : i32 to index
      %swap3A_570 = tpu.vector_load %arg7[%swap3A_569] {strides = array<i32>} : memref<1024xi32, #tpu.memory_space<vmem>>, vector<16xi32>,
      tpu.vector_store %arg7[%swap3A_569], %add3A_564 {strides = array<i32>} : memref<1024xi32, #tpu.memory_space<vmem>>, vector<16xi32>,
      %scan3A_571 = arith.constant 0 : i32
      scf.yield %scan3A_571 : i32
    }
    %scan3A_151 = arith.constant 4 : i32
    %broadcast_in_dim3A_152 = arith.constant 27 : i32
    %broadcast_in_dim3A_153 = vector.broadcast %broadcast_in_dim3A_152 : i32 to vector<16xi32>
    %gather3A_154 = tpu.vector_load_idx %arg6[%broadcast_in_dim3A_153] : memref<32xi32, #tpu.memory_space<vmem>>[vector<16xi32>], vector<16xi32>,
    %scan3A_155 = arith.constant 0 : i32
    %scan3A_156 = arith.constant 0 : i32
    %scan3A_157 = arith.constant 4 : i32
    %scan3A_158 = arith.addi %scan3A_156, %scan3A_157 : i32
    %scan3A_159 = arith.constant 1 : i32
    %scan3A_160 = scf.for %scan3A_555 = %scan3A_156 to %scan3A_158 step %scan3A_159 iter_args(%scan3A_556 = %scan3A_155) -> (i32)  : i32 {
      %mul3A_557 = arith.constant 16 : i32
      %mul3A_558 = arith.muli %mul3A_557, %scan3A_555 : i32
      %add3A_559 = vector.broadcast %mul3A_558 : i32 to vector<16xi32>
      %add3A_560 = arith.addi %iota3A, %add3A_559 : vector<16xi32>
      %mul3A_561 = arith.constant 4096 : i32
      %mul3A_562 = vector.broadcast %mul3A_561 : i32 to vector<16xi32>
      %mul3A_563 = arith.muli %add3A_560, %mul3A_562 : vector<16xi32>
      %add3A_564 = arith.addi %gather3A_154, %mul3A_563 : vector<16xi32>
      %mul3A_565 = arith.constant 16 : i32
      %mul3A_566 = arith.muli %mul3A_565, %scan3A_555 : i32
      %add3A_567 = arith.constant 704 : i32
      %add3A_568 = arith.addi %add3A_567, %mul3A_566 : i32
      %swap3A_569 = arith.index_cast %add3A_568 : i32 to index
      %swap3A_570 = tpu.vector_load %arg7[%swap3A_569] {strides = array<i32>} : memref<1024xi32, #tpu.memory_space<vmem>>, vector<16xi32>,
      tpu.vector_store %arg7[%swap3A_569], %add3A_564 {strides = array<i32>} : memref<1024xi32, #tpu.memory_space<vmem>>, vector<16xi32>,
      %scan3A_571 = arith.constant 0 : i32
      scf.yield %scan3A_571 : i32
    }
    %scan3A_161 = arith.constant 4 : i32
    %dma_start3A_162 = arith.constant 640 : i32
    %dma_start3A_163 = tpu.memref_slice %arg8[%dma_start3A_162] : memref<1024xf32, #tpu.memory_space<vmem>> -> memref<128xf32, #tpu.memory_space<vmem>>
    %dma_start3A_164 = arith.constant 640 : i32
    %dma_start3A_165 = tpu.memref_slice %arg7[%dma_start3A_164] : memref<1024xi32, #tpu.memory_space<vmem>> -> memref<128xi32, #tpu.memory_space<vmem>>
    %dma_start3A_166 = arith.constant 0 : i32
    %dma_start3A_167 = tpu.memref_slice %arg3[%dma_start3A_166] : memref<262144xf32, #tpu.memory_space<hbm>> -> memref<262144xf32, #tpu.memory_space<hbm>>
    tpu.enqueue_indirect_dma source(%dma_start3A_167 : memref<262144xf32, #tpu.memory_space<hbm>>) target(%dma_start3A_163 : memref<128xf32, #tpu.memory_space<vmem>>) offsets(%dma_start3A_165 : memref<128xi32, #tpu.memory_space<vmem>>) semaphore(%arg14 : memref<!tpu.dma_semaphore, #tpu.memory_space<semaphore_mem>>)
    %broadcast_in_dim3A_168 = arith.constant 28 : i32
    %broadcast_in_dim3A_169 = vector.broadcast %broadcast_in_dim3A_168 : i32 to vector<16xi32>
    %gather3A_170 = tpu.vector_load_idx %arg6[%broadcast_in_dim3A_169] : memref<32xi32, #tpu.memory_space<vmem>>[vector<16xi32>], vector<16xi32>,
    %scan3A_171 = arith.constant 0 : i32
    %scan3A_172 = arith.constant 0 : i32
    %scan3A_173 = arith.constant 4 : i32
    %scan3A_174 = arith.addi %scan3A_172, %scan3A_173 : i32
    %scan3A_175 = arith.constant 1 : i32
    %scan3A_176 = scf.for %scan3A_555 = %scan3A_172 to %scan3A_174 step %scan3A_175 iter_args(%scan3A_556 = %scan3A_171) -> (i32)  : i32 {
      %mul3A_557 = arith.constant 16 : i32
      %mul3A_558 = arith.muli %mul3A_557, %scan3A_555 : i32
      %add3A_559 = vector.broadcast %mul3A_558 : i32 to vector<16xi32>
      %add3A_560 = arith.addi %iota3A, %add3A_559 : vector<16xi32>
      %mul3A_561 = arith.constant 4096 : i32
      %mul3A_562 = vector.broadcast %mul3A_561 : i32 to vector<16xi32>
      %mul3A_563 = arith.muli %add3A_560, %mul3A_562 : vector<16xi32>
      %add3A_564 = arith.addi %gather3A_170, %mul3A_563 : vector<16xi32>
      %mul3A_565 = arith.constant 16 : i32
      %mul3A_566 = arith.muli %mul3A_565, %scan3A_555 : i32
      %add3A_567 = arith.constant 768 : i32
      %add3A_568 = arith.addi %add3A_567, %mul3A_566 : i32
      %swap3A_569 = arith.index_cast %add3A_568 : i32 to index
      %swap3A_570 = tpu.vector_load %arg7[%swap3A_569] {strides = array<i32>} : memref<1024xi32, #tpu.memory_space<vmem>>, vector<16xi32>,
      tpu.vector_store %arg7[%swap3A_569], %add3A_564 {strides = array<i32>} : memref<1024xi32, #tpu.memory_space<vmem>>, vector<16xi32>,
      %scan3A_571 = arith.constant 0 : i32
      scf.yield %scan3A_571 : i32
    }
    %scan3A_177 = arith.constant 4 : i32
    %broadcast_in_dim3A_178 = arith.constant 29 : i32
    %broadcast_in_dim3A_179 = vector.broadcast %broadcast_in_dim3A_178 : i32 to vector<16xi32>
    %gather3A_180 = tpu.vector_load_idx %arg6[%broadcast_in_dim3A_179] : memref<32xi32, #tpu.memory_space<vmem>>[vector<16xi32>], vector<16xi32>,
    %scan3A_181 = arith.constant 0 : i32
    %scan3A_182 = arith.constant 0 : i32
    %scan3A_183 = arith.constant 4 : i32
    %scan3A_184 = arith.addi %scan3A_182, %scan3A_183 : i32
    %scan3A_185 = arith.constant 1 : i32
    %scan3A_186 = scf.for %scan3A_555 = %scan3A_182 to %scan3A_184 step %scan3A_185 iter_args(%scan3A_556 = %scan3A_181) -> (i32)  : i32 {
      %mul3A_557 = arith.constant 16 : i32
      %mul3A_558 = arith.muli %mul3A_557, %scan3A_555 : i32
      %add3A_559 = vector.broadcast %mul3A_558 : i32 to vector<16xi32>
      %add3A_560 = arith.addi %iota3A, %add3A_559 : vector<16xi32>
      %mul3A_561 = arith.constant 4096 : i32
      %mul3A_562 = vector.broadcast %mul3A_561 : i32 to vector<16xi32>
      %mul3A_563 = arith.muli %add3A_560, %mul3A_562 : vector<16xi32>
      %add3A_564 = arith.addi %gather3A_180, %mul3A_563 : vector<16xi32>
      %mul3A_565 = arith.constant 16 : i32
      %mul3A_566 = arith.muli %mul3A_565, %scan3A_555 : i32
      %add3A_567 = arith.constant 832 : i32
      %add3A_568 = arith.addi %add3A_567, %mul3A_566 : i32
      %swap3A_569 = arith.index_cast %add3A_568 : i32 to index
      %swap3A_570 = tpu.vector_load %arg7[%swap3A_569] {strides = array<i32>} : memref<1024xi32, #tpu.memory_space<vmem>>, vector<16xi32>,
      tpu.vector_store %arg7[%swap3A_569], %add3A_564 {strides = array<i32>} : memref<1024xi32, #tpu.memory_space<vmem>>, vector<16xi32>,
      %scan3A_571 = arith.constant 0 : i32
      scf.yield %scan3A_571 : i32
    }
    %scan3A_187 = arith.constant 4 : i32
    %dma_start3A_188 = arith.constant 768 : i32
    %dma_start3A_189 = tpu.memref_slice %arg8[%dma_start3A_188] : memref<1024xf32, #tpu.memory_space<vmem>> -> memref<128xf32, #tpu.memory_space<vmem>>
    %dma_start3A_190 = arith.constant 768 : i32
    %dma_start3A_191 = tpu.memref_slice %arg7[%dma_start3A_190] : memref<1024xi32, #tpu.memory_space<vmem>> -> memref<128xi32, #tpu.memory_space<vmem>>
    %dma_start3A_192 = arith.constant 0 : i32
    %dma_start3A_193 = tpu.memref_slice %arg3[%dma_start3A_192] : memref<262144xf32, #tpu.memory_space<hbm>> -> memref<262144xf32, #tpu.memory_space<hbm>>
    tpu.enqueue_indirect_dma source(%dma_start3A_193 : memref<262144xf32, #tpu.memory_space<hbm>>) target(%dma_start3A_189 : memref<128xf32, #tpu.memory_space<vmem>>) offsets(%dma_start3A_191 : memref<128xi32, #tpu.memory_space<vmem>>) semaphore(%arg15 : memref<!tpu.dma_semaphore, #tpu.memory_space<semaphore_mem>>)
    %broadcast_in_dim3A_194 = arith.constant 30 : i32
    %broadcast_in_dim3A_195 = vector.broadcast %broadcast_in_dim3A_194 : i32 to vector<16xi32>
    %gather3A_196 = tpu.vector_load_idx %arg6[%broadcast_in_dim3A_195] : memref<32xi32, #tpu.memory_space<vmem>>[vector<16xi32>], vector<16xi32>,
    %scan3A_197 = arith.constant 0 : i32
    %scan3A_198 = arith.constant 0 : i32
    %scan3A_199 = arith.constant 4 : i32
    %scan3A_200 = arith.addi %scan3A_198, %scan3A_199 : i32
    %scan3A_201 = arith.constant 1 : i32
    %scan3A_202 = scf.for %scan3A_555 = %scan3A_198 to %scan3A_200 step %scan3A_201 iter_args(%scan3A_556 = %scan3A_197) -> (i32)  : i32 {
      %mul3A_557 = arith.constant 16 : i32
      %mul3A_558 = arith.muli %mul3A_557, %scan3A_555 : i32
      %add3A_559 = vector.broadcast %mul3A_558 : i32 to vector<16xi32>
      %add3A_560 = arith.addi %iota3A, %add3A_559 : vector<16xi32>
      %mul3A_561 = arith.constant 4096 : i32
      %mul3A_562 = vector.broadcast %mul3A_561 : i32 to vector<16xi32>
      %mul3A_563 = arith.muli %add3A_560, %mul3A_562 : vector<16xi32>
      %add3A_564 = arith.addi %gather3A_196, %mul3A_563 : vector<16xi32>
      %mul3A_565 = arith.constant 16 : i32
      %mul3A_566 = arith.muli %mul3A_565, %scan3A_555 : i32
      %add3A_567 = arith.constant 896 : i32
      %add3A_568 = arith.addi %add3A_567, %mul3A_566 : i32
      %swap3A_569 = arith.index_cast %add3A_568 : i32 to index
      %swap3A_570 = tpu.vector_load %arg7[%swap3A_569] {strides = array<i32>} : memref<1024xi32, #tpu.memory_space<vmem>>, vector<16xi32>,
      tpu.vector_store %arg7[%swap3A_569], %add3A_564 {strides = array<i32>} : memref<1024xi32, #tpu.memory_space<vmem>>, vector<16xi32>,
      %scan3A_571 = arith.constant 0 : i32
      scf.yield %scan3A_571 : i32
    }
    %scan3A_203 = arith.constant 4 : i32
    %broadcast_in_dim3A_204 = arith.constant 31 : i32
    %broadcast_in_dim3A_205 = vector.broadcast %broadcast_in_dim3A_204 : i32 to vector<16xi32>
    %gather3A_206 = tpu.vector_load_idx %arg6[%broadcast_in_dim3A_205] : memref<32xi32, #tpu.memory_space<vmem>>[vector<16xi32>], vector<16xi32>,
    %scan3A_207 = arith.constant 0 : i32
    %scan3A_208 = arith.constant 0 : i32
    %scan3A_209 = arith.constant 4 : i32
    %scan3A_210 = arith.addi %scan3A_208, %scan3A_209 : i32
    %scan3A_211 = arith.constant 1 : i32
    %scan3A_212 = scf.for %scan3A_555 = %scan3A_208 to %scan3A_210 step %scan3A_211 iter_args(%scan3A_556 = %scan3A_207) -> (i32)  : i32 {
      %mul3A_557 = arith.constant 16 : i32
      %mul3A_558 = arith.muli %mul3A_557, %scan3A_555 : i32
      %add3A_559 = vector.broadcast %mul3A_558 : i32 to vector<16xi32>
      %add3A_560 = arith.addi %iota3A, %add3A_559 : vector<16xi32>
      %mul3A_561 = arith.constant 4096 : i32
      %mul3A_562 = vector.broadcast %mul3A_561 : i32 to vector<16xi32>
      %mul3A_563 = arith.muli %add3A_560, %mul3A_562 : vector<16xi32>
      %add3A_564 = arith.addi %gather3A_206, %mul3A_563 : vector<16xi32>
      %mul3A_565 = arith.constant 16 : i32
      %mul3A_566 = arith.muli %mul3A_565, %scan3A_555 : i32
      %add3A_567 = arith.constant 960 : i32
      %add3A_568 = arith.addi %add3A_567, %mul3A_566 : i32
      %swap3A_569 = arith.index_cast %add3A_568 : i32 to index
      %swap3A_570 = tpu.vector_load %arg7[%swap3A_569] {strides = array<i32>} : memref<1024xi32, #tpu.memory_space<vmem>>, vector<16xi32>,
      tpu.vector_store %arg7[%swap3A_569], %add3A_564 {strides = array<i32>} : memref<1024xi32, #tpu.memory_space<vmem>>, vector<16xi32>,
      %scan3A_571 = arith.constant 0 : i32
      scf.yield %scan3A_571 : i32
    }
    %scan3A_213 = arith.constant 4 : i32
    %dma_start3A_214 = arith.constant 896 : i32
    %dma_start3A_215 = tpu.memref_slice %arg8[%dma_start3A_214] : memref<1024xf32, #tpu.memory_space<vmem>> -> memref<128xf32, #tpu.memory_space<vmem>>
    %dma_start3A_216 = arith.constant 896 : i32
    %dma_start3A_217 = tpu.memref_slice %arg7[%dma_start3A_216] : memref<1024xi32, #tpu.memory_space<vmem>> -> memref<128xi32, #tpu.memory_space<vmem>>
    %dma_start3A_218 = arith.constant 0 : i32
    %dma_start3A_219 = tpu.memref_slice %arg3[%dma_start3A_218] : memref<262144xf32, #tpu.memory_space<hbm>> -> memref<262144xf32, #tpu.memory_space<hbm>>
    tpu.enqueue_indirect_dma source(%dma_start3A_219 : memref<262144xf32, #tpu.memory_space<hbm>>) target(%dma_start3A_215 : memref<128xf32, #tpu.memory_space<vmem>>) offsets(%dma_start3A_217 : memref<128xi32, #tpu.memory_space<vmem>>) semaphore(%arg16 : memref<!tpu.dma_semaphore, #tpu.memory_space<semaphore_mem>>)
    %dma_wait3A = arith.constant 0 : i32
    %dma_wait3A_220 = tpu.memref_slice %arg8[%dma_wait3A] : memref<1024xf32, #tpu.memory_space<vmem>> -> memref<128xf32, #tpu.memory_space<vmem>>
    %dma_wait3A_221 = arith.constant 0 : i32
    %dma_wait3A_222 = tpu.memref_slice %arg7[%dma_wait3A_221] : memref<1024xi32, #tpu.memory_space<vmem>> -> memref<128xi32, #tpu.memory_space<vmem>>
    %dma_wait3A_223 = arith.constant 0 : i32
    %dma_wait3A_224 = tpu.memref_slice %arg3[%dma_wait3A_223] : memref<262144xf32, #tpu.memory_space<hbm>> -> memref<262144xf32, #tpu.memory_space<hbm>>
    tpu.wait_indirect_dma semaphore(%arg9 : memref<!tpu.dma_semaphore, #tpu.memory_space<semaphore_mem>>) src(%dma_wait3A_224 : memref<262144xf32, #tpu.memory_space<hbm>>) dst(%dma_wait3A_220 : memref<128xf32, #tpu.memory_space<vmem>>)
    %add3A_225 = arith.constant 0 : i32
    %add3A_226 = arith.addi %mul3A_2, %add3A_225 : i32
    %broadcast_in_dim3A_227 = vector.broadcast %add3A_226 : i32 to vector<16xi32>
    %scan3A_228 = arith.constant 0 : i32
    %scan3A_229 = arith.constant 0 : i32
    %scan3A_230 = arith.constant 4 : i32
    %scan3A_231 = arith.addi %scan3A_229, %scan3A_230 : i32
    %scan3A_232 = arith.constant 1 : i32
    %scan3A_233 = scf.for %scan3A_555 = %scan3A_229 to %scan3A_231 step %scan3A_232 iter_args(%scan3A_556 = %scan3A_228) -> (i32)  : i32 {
      %mul3A_557 = arith.constant 16 : i32
      %mul3A_558 = arith.muli %mul3A_557, %scan3A_555 : i32
      %add3A_559 = vector.broadcast %mul3A_558 : i32 to vector<16xi32>
      %add3A_560 = arith.addi %iota3A, %add3A_559 : vector<16xi32>
      %jit3A = arith.constant 10 : i32
      %eq3A = arith.constant 0 : i32
      %eq3A_561 = arith.cmpi eq, %jit3A, %eq3A : i32
      %jit3A_562 = arith.constant 1 : i32
      %select_n3A = arith.select %eq3A_561, %jit3A_562, %jit3A : i32
      %rem3A = vector.broadcast %select_n3A : i32 to vector<16xi32>
      %rem3A_563 = arith.remsi %add3A_560, %rem3A : vector<16xi32>
      %ne3A = arith.constant 0 : i32
      %ne3A_564 = vector.broadcast %ne3A : i32 to vector<16xi32>
      %ne3A_565 = arith.cmpi ne, %rem3A_563, %ne3A_564 : vector<16xi32>
      %lt3A = arith.constant 0 : i32
      %lt3A_566 = vector.broadcast %lt3A : i32 to vector<16xi32>
      %lt3A_567 = arith.cmpi slt, %rem3A_563, %lt3A_566 : vector<16xi32>
      %lt3A_568 = arith.constant 0 : i32
      %lt3A_569 = arith.cmpi slt, %select_n3A, %lt3A_568 : i32
      %ne3A_570 = vector.broadcast %lt3A_569 : i1 to vector<16xi1>
      %ne3A_571 = vector.broadcast %ne3A_570 : vector<16xi1> to vector<16xi1>
      %ne3A_572 = arith.xori %lt3A_567, %ne3A_571 : vector<16xi1>
      %and3A = arith.andi %ne3A_572, %ne3A_565 : vector<16xi1>
      %add3A_573 = vector.broadcast %select_n3A : i32 to vector<16xi32>
      %add3A_574 = arith.addi %rem3A_563, %add3A_573 : vector<16xi32>
      %select_n3A_575 = arith.select %and3A, %add3A_574, %rem3A_563 : vector<16xi1>, vector<16xi32>
      %sub3A = arith.constant 9 : i32
      %sub3A_576 = vector.broadcast %sub3A : i32 to vector<16xi32>
      %sub3A_577 = arith.subi %sub3A_576, %select_n3A_575 : vector<16xi32>
      %shift_right_arithmetic3A = arith.shrsi %broadcast_in_dim3A_227, %sub3A_577 : vector<16xi32>
      %and3A_578 = arith.constant 1 : i32
      %and3A_579 = vector.broadcast %and3A_578 : i32 to vector<16xi32>
      %and3A_580 = arith.andi %shift_right_arithmetic3A, %and3A_579 : vector<16xi32>
      %convert_element_type3A = arith.sitofp %and3A_580 : vector<16xi32> to vector<16xf32>
      %mul3A_581 = arith.constant 16 : i32
      %mul3A_582 = arith.muli %mul3A_581, %scan3A_555 : i32
      %add3A_583 = arith.constant 0 : i32
      %add3A_584 = arith.addi %add3A_583, %mul3A_582 : i32
      %get3A = arith.index_cast %add3A_584 : i32 to index
      %get3A_585 = tpu.vector_load %arg8[%get3A] {strides = array<i32>} : memref<1024xf32, #tpu.memory_space<vmem>>, vector<16xf32>,
      %mul3A_586 = arith.constant 2.000000e+00 : f32
      %mul3A_587 = vector.broadcast %mul3A_586 : f32 to vector<16xf32>
      %mul3A_588 = arith.mulf %mul3A_587, %convert_element_type3A : vector<16xf32>
      %sub3A_589 = arith.constant 1.000000e+00 : f32
      %sub3A_590 = vector.broadcast %sub3A_589 : f32 to vector<16xf32>
      %sub3A_591 = arith.subf %sub3A_590, %mul3A_588 : vector<16xf32>
      %mul3A_592 = arith.mulf %get3A_585, %sub3A_591 : vector<16xf32>
      %add3A_593 = arith.addf %mul3A_592, %convert_element_type3A : vector<16xf32>
      %swap3A_594 = arith.index_cast %add3A_584 : i32 to index
      %swap3A_595 = tpu.vector_load %arg8[%swap3A_594] {strides = array<i32>} : memref<1024xf32, #tpu.memory_space<vmem>>, vector<16xf32>,
      tpu.vector_store %arg8[%swap3A_594], %add3A_593 {strides = array<i32>} : memref<1024xf32, #tpu.memory_space<vmem>>, vector<16xf32>,
      %scan3A_596 = arith.constant 0 : i32
      scf.yield %scan3A_596 : i32
    }
    %scan3A_234 = arith.constant 4 : i32
    %add3A_235 = arith.constant 1 : i32
    %add3A_236 = arith.addi %mul3A_2, %add3A_235 : i32
    %broadcast_in_dim3A_237 = vector.broadcast %add3A_236 : i32 to vector<16xi32>
    %scan3A_238 = arith.constant 0 : i32
    %scan3A_239 = arith.constant 0 : i32
    %scan3A_240 = arith.constant 4 : i32
    %scan3A_241 = arith.addi %scan3A_239, %scan3A_240 : i32
    %scan3A_242 = arith.constant 1 : i32
    %scan3A_243 = scf.for %scan3A_555 = %scan3A_239 to %scan3A_241 step %scan3A_242 iter_args(%scan3A_556 = %scan3A_238) -> (i32)  : i32 {
      %mul3A_557 = arith.constant 16 : i32
      %mul3A_558 = arith.muli %mul3A_557, %scan3A_555 : i32
      %add3A_559 = vector.broadcast %mul3A_558 : i32 to vector<16xi32>
      %add3A_560 = arith.addi %iota3A, %add3A_559 : vector<16xi32>
      %jit3A = arith.constant 10 : i32
      %eq3A = arith.constant 0 : i32
      %eq3A_561 = arith.cmpi eq, %jit3A, %eq3A : i32
      %jit3A_562 = arith.constant 1 : i32
      %select_n3A = arith.select %eq3A_561, %jit3A_562, %jit3A : i32
      %rem3A = vector.broadcast %select_n3A : i32 to vector<16xi32>
      %rem3A_563 = arith.remsi %add3A_560, %rem3A : vector<16xi32>
      %ne3A = arith.constant 0 : i32
      %ne3A_564 = vector.broadcast %ne3A : i32 to vector<16xi32>
      %ne3A_565 = arith.cmpi ne, %rem3A_563, %ne3A_564 : vector<16xi32>
      %lt3A = arith.constant 0 : i32
      %lt3A_566 = vector.broadcast %lt3A : i32 to vector<16xi32>
      %lt3A_567 = arith.cmpi slt, %rem3A_563, %lt3A_566 : vector<16xi32>
      %lt3A_568 = arith.constant 0 : i32
      %lt3A_569 = arith.cmpi slt, %select_n3A, %lt3A_568 : i32
      %ne3A_570 = vector.broadcast %lt3A_569 : i1 to vector<16xi1>
      %ne3A_571 = vector.broadcast %ne3A_570 : vector<16xi1> to vector<16xi1>
      %ne3A_572 = arith.xori %lt3A_567, %ne3A_571 : vector<16xi1>
      %and3A = arith.andi %ne3A_572, %ne3A_565 : vector<16xi1>
      %add3A_573 = vector.broadcast %select_n3A : i32 to vector<16xi32>
      %add3A_574 = arith.addi %rem3A_563, %add3A_573 : vector<16xi32>
      %select_n3A_575 = arith.select %and3A, %add3A_574, %rem3A_563 : vector<16xi1>, vector<16xi32>
      %sub3A = arith.constant 9 : i32
      %sub3A_576 = vector.broadcast %sub3A : i32 to vector<16xi32>
      %sub3A_577 = arith.subi %sub3A_576, %select_n3A_575 : vector<16xi32>
      %shift_right_arithmetic3A = arith.shrsi %broadcast_in_dim3A_237, %sub3A_577 : vector<16xi32>
      %and3A_578 = arith.constant 1 : i32
      %and3A_579 = vector.broadcast %and3A_578 : i32 to vector<16xi32>
      %and3A_580 = arith.andi %shift_right_arithmetic3A, %and3A_579 : vector<16xi32>
      %convert_element_type3A = arith.sitofp %and3A_580 : vector<16xi32> to vector<16xf32>
      %mul3A_581 = arith.constant 16 : i32
      %mul3A_582 = arith.muli %mul3A_581, %scan3A_555 : i32
      %add3A_583 = arith.constant 64 : i32
      %add3A_584 = arith.addi %add3A_583, %mul3A_582 : i32
      %get3A = arith.index_cast %add3A_584 : i32 to index
      %get3A_585 = tpu.vector_load %arg8[%get3A] {strides = array<i32>} : memref<1024xf32, #tpu.memory_space<vmem>>, vector<16xf32>,
      %mul3A_586 = arith.constant 2.000000e+00 : f32
      %mul3A_587 = vector.broadcast %mul3A_586 : f32 to vector<16xf32>
      %mul3A_588 = arith.mulf %mul3A_587, %convert_element_type3A : vector<16xf32>
      %sub3A_589 = arith.constant 1.000000e+00 : f32
      %sub3A_590 = vector.broadcast %sub3A_589 : f32 to vector<16xf32>
      %sub3A_591 = arith.subf %sub3A_590, %mul3A_588 : vector<16xf32>
      %mul3A_592 = arith.mulf %get3A_585, %sub3A_591 : vector<16xf32>
      %add3A_593 = arith.addf %mul3A_592, %convert_element_type3A : vector<16xf32>
      %swap3A_594 = arith.index_cast %add3A_584 : i32 to index
      %swap3A_595 = tpu.vector_load %arg8[%swap3A_594] {strides = array<i32>} : memref<1024xf32, #tpu.memory_space<vmem>>, vector<16xf32>,
      tpu.vector_store %arg8[%swap3A_594], %add3A_593 {strides = array<i32>} : memref<1024xf32, #tpu.memory_space<vmem>>, vector<16xf32>,
      %scan3A_596 = arith.constant 0 : i32
      scf.yield %scan3A_596 : i32
    }
    %scan3A_244 = arith.constant 4 : i32
    %mul3A_245 = arith.constant 1024 : i32
    %mul3A_246 = arith.muli %add3A, %mul3A_245 : i32
    %add3A_247 = arith.constant 0 : i32
    %add3A_248 = arith.addi %mul3A_246, %add3A_247 : i32
    %dma_start3A_249 = arith.constant 0 : i32
    %dma_start3A_250 = tpu.memref_slice %arg8[%dma_start3A_249] : memref<1024xf32, #tpu.memory_space<vmem>> -> memref<128xf32, #tpu.memory_space<vmem>>
    %dma_start3A_251 = tpu.memref_slice %arg4[%add3A_248] : memref<32768xf32, #tpu.memory_space<hbm>> -> memref<128xf32, #tpu.memory_space<hbm>>
    %dma_start3A_252 = tpu.memref_slice %arg4[%add3A_248] : memref<32768xf32, #tpu.memory_space<hbm>> -> memref<128xf32, #tpu.memory_space<hbm>>
    %dma_start3A_253 = arith.constant 0 : i32
    %dma_start3A_254 = tpu.memref_slice %arg8[%dma_start3A_253] : memref<1024xf32, #tpu.memory_space<vmem>> -> memref<128xf32, #tpu.memory_space<vmem>>
    tpu.enqueue_dma source(%dma_start3A_254 : memref<128xf32, #tpu.memory_space<vmem>>) target(%dma_start3A_252 : memref<128xf32, #tpu.memory_space<hbm>>) target_semaphore(%arg17 : memref<!tpu.dma_semaphore, #tpu.memory_space<semaphore_mem>>)
    %dma_wait3A_255 = arith.constant 128 : i32
    %dma_wait3A_256 = tpu.memref_slice %arg8[%dma_wait3A_255] : memref<1024xf32, #tpu.memory_space<vmem>> -> memref<128xf32, #tpu.memory_space<vmem>>
    %dma_wait3A_257 = arith.constant 128 : i32
    %dma_wait3A_258 = tpu.memref_slice %arg7[%dma_wait3A_257] : memref<1024xi32, #tpu.memory_space<vmem>> -> memref<128xi32, #tpu.memory_space<vmem>>
    %dma_wait3A_259 = arith.constant 0 : i32
    %dma_wait3A_260 = tpu.memref_slice %arg3[%dma_wait3A_259] : memref<262144xf32, #tpu.memory_space<hbm>> -> memref<262144xf32, #tpu.memory_space<hbm>>
    tpu.wait_indirect_dma semaphore(%arg10 : memref<!tpu.dma_semaphore, #tpu.memory_space<semaphore_mem>>) src(%dma_wait3A_260 : memref<262144xf32, #tpu.memory_space<hbm>>) dst(%dma_wait3A_256 : memref<128xf32, #tpu.memory_space<vmem>>)
    %add3A_261 = arith.constant 2 : i32
    %add3A_262 = arith.addi %mul3A_2, %add3A_261 : i32
    %broadcast_in_dim3A_263 = vector.broadcast %add3A_262 : i32 to vector<16xi32>
    %scan3A_264 = arith.constant 0 : i32
    %scan3A_265 = arith.constant 0 : i32
    %scan3A_266 = arith.constant 4 : i32
    %scan3A_267 = arith.addi %scan3A_265, %scan3A_266 : i32
    %scan3A_268 = arith.constant 1 : i32
    %scan3A_269 = scf.for %scan3A_555 = %scan3A_265 to %scan3A_267 step %scan3A_268 iter_args(%scan3A_556 = %scan3A_264) -> (i32)  : i32 {
      %mul3A_557 = arith.constant 16 : i32
      %mul3A_558 = arith.muli %mul3A_557, %scan3A_555 : i32
      %add3A_559 = vector.broadcast %mul3A_558 : i32 to vector<16xi32>
      %add3A_560 = arith.addi %iota3A, %add3A_559 : vector<16xi32>
      %jit3A = arith.constant 10 : i32
      %eq3A = arith.constant 0 : i32
      %eq3A_561 = arith.cmpi eq, %jit3A, %eq3A : i32
      %jit3A_562 = arith.constant 1 : i32
      %select_n3A = arith.select %eq3A_561, %jit3A_562, %jit3A : i32
      %rem3A = vector.broadcast %select_n3A : i32 to vector<16xi32>
      %rem3A_563 = arith.remsi %add3A_560, %rem3A : vector<16xi32>
      %ne3A = arith.constant 0 : i32
      %ne3A_564 = vector.broadcast %ne3A : i32 to vector<16xi32>
      %ne3A_565 = arith.cmpi ne, %rem3A_563, %ne3A_564 : vector<16xi32>
      %lt3A = arith.constant 0 : i32
      %lt3A_566 = vector.broadcast %lt3A : i32 to vector<16xi32>
      %lt3A_567 = arith.cmpi slt, %rem3A_563, %lt3A_566 : vector<16xi32>
      %lt3A_568 = arith.constant 0 : i32
      %lt3A_569 = arith.cmpi slt, %select_n3A, %lt3A_568 : i32
      %ne3A_570 = vector.broadcast %lt3A_569 : i1 to vector<16xi1>
      %ne3A_571 = vector.broadcast %ne3A_570 : vector<16xi1> to vector<16xi1>
      %ne3A_572 = arith.xori %lt3A_567, %ne3A_571 : vector<16xi1>
      %and3A = arith.andi %ne3A_572, %ne3A_565 : vector<16xi1>
      %add3A_573 = vector.broadcast %select_n3A : i32 to vector<16xi32>
      %add3A_574 = arith.addi %rem3A_563, %add3A_573 : vector<16xi32>
      %select_n3A_575 = arith.select %and3A, %add3A_574, %rem3A_563 : vector<16xi1>, vector<16xi32>
      %sub3A = arith.constant 9 : i32
      %sub3A_576 = vector.broadcast %sub3A : i32 to vector<16xi32>
      %sub3A_577 = arith.subi %sub3A_576, %select_n3A_575 : vector<16xi32>
      %shift_right_arithmetic3A = arith.shrsi %broadcast_in_dim3A_263, %sub3A_577 : vector<16xi32>
      %and3A_578 = arith.constant 1 : i32
      %and3A_579 = vector.broadcast %and3A_578 : i32 to vector<16xi32>
      %and3A_580 = arith.andi %shift_right_arithmetic3A, %and3A_579 : vector<16xi32>
      %convert_element_type3A = arith.sitofp %and3A_580 : vector<16xi32> to vector<16xf32>
      %mul3A_581 = arith.constant 16 : i32
      %mul3A_582 = arith.muli %mul3A_581, %scan3A_555 : i32
      %add3A_583 = arith.constant 128 : i32
      %add3A_584 = arith.addi %add3A_583, %mul3A_582 : i32
      %get3A = arith.index_cast %add3A_584 : i32 to index
      %get3A_585 = tpu.vector_load %arg8[%get3A] {strides = array<i32>} : memref<1024xf32, #tpu.memory_space<vmem>>, vector<16xf32>,
      %mul3A_586 = arith.constant 2.000000e+00 : f32
      %mul3A_587 = vector.broadcast %mul3A_586 : f32 to vector<16xf32>
      %mul3A_588 = arith.mulf %mul3A_587, %convert_element_type3A : vector<16xf32>
      %sub3A_589 = arith.constant 1.000000e+00 : f32
      %sub3A_590 = vector.broadcast %sub3A_589 : f32 to vector<16xf32>
      %sub3A_591 = arith.subf %sub3A_590, %mul3A_588 : vector<16xf32>
      %mul3A_592 = arith.mulf %get3A_585, %sub3A_591 : vector<16xf32>
      %add3A_593 = arith.addf %mul3A_592, %convert_element_type3A : vector<16xf32>
      %swap3A_594 = arith.index_cast %add3A_584 : i32 to index
      %swap3A_595 = tpu.vector_load %arg8[%swap3A_594] {strides = array<i32>} : memref<1024xf32, #tpu.memory_space<vmem>>, vector<16xf32>,
      tpu.vector_store %arg8[%swap3A_594], %add3A_593 {strides = array<i32>} : memref<1024xf32, #tpu.memory_space<vmem>>, vector<16xf32>,
      %scan3A_596 = arith.constant 0 : i32
      scf.yield %scan3A_596 : i32
    }
    %scan3A_270 = arith.constant 4 : i32
    %add3A_271 = arith.constant 3 : i32
    %add3A_272 = arith.addi %mul3A_2, %add3A_271 : i32
    %broadcast_in_dim3A_273 = vector.broadcast %add3A_272 : i32 to vector<16xi32>
    %scan3A_274 = arith.constant 0 : i32
    %scan3A_275 = arith.constant 0 : i32
    %scan3A_276 = arith.constant 4 : i32
    %scan3A_277 = arith.addi %scan3A_275, %scan3A_276 : i32
    %scan3A_278 = arith.constant 1 : i32
    %scan3A_279 = scf.for %scan3A_555 = %scan3A_275 to %scan3A_277 step %scan3A_278 iter_args(%scan3A_556 = %scan3A_274) -> (i32)  : i32 {
      %mul3A_557 = arith.constant 16 : i32
      %mul3A_558 = arith.muli %mul3A_557, %scan3A_555 : i32
      %add3A_559 = vector.broadcast %mul3A_558 : i32 to vector<16xi32>
      %add3A_560 = arith.addi %iota3A, %add3A_559 : vector<16xi32>
      %jit3A = arith.constant 10 : i32
      %eq3A = arith.constant 0 : i32
      %eq3A_561 = arith.cmpi eq, %jit3A, %eq3A : i32
      %jit3A_562 = arith.constant 1 : i32
      %select_n3A = arith.select %eq3A_561, %jit3A_562, %jit3A : i32
      %rem3A = vector.broadcast %select_n3A : i32 to vector<16xi32>
      %rem3A_563 = arith.remsi %add3A_560, %rem3A : vector<16xi32>
      %ne3A = arith.constant 0 : i32
      %ne3A_564 = vector.broadcast %ne3A : i32 to vector<16xi32>
      %ne3A_565 = arith.cmpi ne, %rem3A_563, %ne3A_564 : vector<16xi32>
      %lt3A = arith.constant 0 : i32
      %lt3A_566 = vector.broadcast %lt3A : i32 to vector<16xi32>
      %lt3A_567 = arith.cmpi slt, %rem3A_563, %lt3A_566 : vector<16xi32>
      %lt3A_568 = arith.constant 0 : i32
      %lt3A_569 = arith.cmpi slt, %select_n3A, %lt3A_568 : i32
      %ne3A_570 = vector.broadcast %lt3A_569 : i1 to vector<16xi1>
      %ne3A_571 = vector.broadcast %ne3A_570 : vector<16xi1> to vector<16xi1>
      %ne3A_572 = arith.xori %lt3A_567, %ne3A_571 : vector<16xi1>
      %and3A = arith.andi %ne3A_572, %ne3A_565 : vector<16xi1>
      %add3A_573 = vector.broadcast %select_n3A : i32 to vector<16xi32>
      %add3A_574 = arith.addi %rem3A_563, %add3A_573 : vector<16xi32>
      %select_n3A_575 = arith.select %and3A, %add3A_574, %rem3A_563 : vector<16xi1>, vector<16xi32>
      %sub3A = arith.constant 9 : i32
      %sub3A_576 = vector.broadcast %sub3A : i32 to vector<16xi32>
      %sub3A_577 = arith.subi %sub3A_576, %select_n3A_575 : vector<16xi32>
      %shift_right_arithmetic3A = arith.shrsi %broadcast_in_dim3A_273, %sub3A_577 : vector<16xi32>
      %and3A_578 = arith.constant 1 : i32
      %and3A_579 = vector.broadcast %and3A_578 : i32 to vector<16xi32>
      %and3A_580 = arith.andi %shift_right_arithmetic3A, %and3A_579 : vector<16xi32>
      %convert_element_type3A = arith.sitofp %and3A_580 : vector<16xi32> to vector<16xf32>
      %mul3A_581 = arith.constant 16 : i32
      %mul3A_582 = arith.muli %mul3A_581, %scan3A_555 : i32
      %add3A_583 = arith.constant 192 : i32
      %add3A_584 = arith.addi %add3A_583, %mul3A_582 : i32
      %get3A = arith.index_cast %add3A_584 : i32 to index
      %get3A_585 = tpu.vector_load %arg8[%get3A] {strides = array<i32>} : memref<1024xf32, #tpu.memory_space<vmem>>, vector<16xf32>,
      %mul3A_586 = arith.constant 2.000000e+00 : f32
      %mul3A_587 = vector.broadcast %mul3A_586 : f32 to vector<16xf32>
      %mul3A_588 = arith.mulf %mul3A_587, %convert_element_type3A : vector<16xf32>
      %sub3A_589 = arith.constant 1.000000e+00 : f32
      %sub3A_590 = vector.broadcast %sub3A_589 : f32 to vector<16xf32>
      %sub3A_591 = arith.subf %sub3A_590, %mul3A_588 : vector<16xf32>
      %mul3A_592 = arith.mulf %get3A_585, %sub3A_591 : vector<16xf32>
      %add3A_593 = arith.addf %mul3A_592, %convert_element_type3A : vector<16xf32>
      %swap3A_594 = arith.index_cast %add3A_584 : i32 to index
      %swap3A_595 = tpu.vector_load %arg8[%swap3A_594] {strides = array<i32>} : memref<1024xf32, #tpu.memory_space<vmem>>, vector<16xf32>,
      tpu.vector_store %arg8[%swap3A_594], %add3A_593 {strides = array<i32>} : memref<1024xf32, #tpu.memory_space<vmem>>, vector<16xf32>,
      %scan3A_596 = arith.constant 0 : i32
      scf.yield %scan3A_596 : i32
    }
    %scan3A_280 = arith.constant 4 : i32
    %mul3A_281 = arith.constant 1024 : i32
    %mul3A_282 = arith.muli %add3A, %mul3A_281 : i32
    %add3A_283 = arith.constant 128 : i32
    %add3A_284 = arith.addi %mul3A_282, %add3A_283 : i32
    %dma_start3A_285 = arith.constant 128 : i32
    %dma_start3A_286 = tpu.memref_slice %arg8[%dma_start3A_285] : memref<1024xf32, #tpu.memory_space<vmem>> -> memref<128xf32, #tpu.memory_space<vmem>>
    %dma_start3A_287 = tpu.memref_slice %arg4[%add3A_284] : memref<32768xf32, #tpu.memory_space<hbm>> -> memref<128xf32, #tpu.memory_space<hbm>>
    %dma_start3A_288 = tpu.memref_slice %arg4[%add3A_284] : memref<32768xf32, #tpu.memory_space<hbm>> -> memref<128xf32, #tpu.memory_space<hbm>>
    %dma_start3A_289 = arith.constant 128 : i32
    %dma_start3A_290 = tpu.memref_slice %arg8[%dma_start3A_289] : memref<1024xf32, #tpu.memory_space<vmem>> -> memref<128xf32, #tpu.memory_space<vmem>>
    tpu.enqueue_dma source(%dma_start3A_290 : memref<128xf32, #tpu.memory_space<vmem>>) target(%dma_start3A_288 : memref<128xf32, #tpu.memory_space<hbm>>) target_semaphore(%arg17 : memref<!tpu.dma_semaphore, #tpu.memory_space<semaphore_mem>>)
    %dma_wait3A_291 = arith.constant 256 : i32
    %dma_wait3A_292 = tpu.memref_slice %arg8[%dma_wait3A_291] : memref<1024xf32, #tpu.memory_space<vmem>> -> memref<128xf32, #tpu.memory_space<vmem>>
    %dma_wait3A_293 = arith.constant 256 : i32
    %dma_wait3A_294 = tpu.memref_slice %arg7[%dma_wait3A_293] : memref<1024xi32, #tpu.memory_space<vmem>> -> memref<128xi32, #tpu.memory_space<vmem>>
    %dma_wait3A_295 = arith.constant 0 : i32
    %dma_wait3A_296 = tpu.memref_slice %arg3[%dma_wait3A_295] : memref<262144xf32, #tpu.memory_space<hbm>> -> memref<262144xf32, #tpu.memory_space<hbm>>
    tpu.wait_indirect_dma semaphore(%arg11 : memref<!tpu.dma_semaphore, #tpu.memory_space<semaphore_mem>>) src(%dma_wait3A_296 : memref<262144xf32, #tpu.memory_space<hbm>>) dst(%dma_wait3A_292 : memref<128xf32, #tpu.memory_space<vmem>>)
    %add3A_297 = arith.constant 4 : i32
    %add3A_298 = arith.addi %mul3A_2, %add3A_297 : i32
    %broadcast_in_dim3A_299 = vector.broadcast %add3A_298 : i32 to vector<16xi32>
    %scan3A_300 = arith.constant 0 : i32
    %scan3A_301 = arith.constant 0 : i32
    %scan3A_302 = arith.constant 4 : i32
    %scan3A_303 = arith.addi %scan3A_301, %scan3A_302 : i32
    %scan3A_304 = arith.constant 1 : i32
    %scan3A_305 = scf.for %scan3A_555 = %scan3A_301 to %scan3A_303 step %scan3A_304 iter_args(%scan3A_556 = %scan3A_300) -> (i32)  : i32 {
      %mul3A_557 = arith.constant 16 : i32
      %mul3A_558 = arith.muli %mul3A_557, %scan3A_555 : i32
      %add3A_559 = vector.broadcast %mul3A_558 : i32 to vector<16xi32>
      %add3A_560 = arith.addi %iota3A, %add3A_559 : vector<16xi32>
      %jit3A = arith.constant 10 : i32
      %eq3A = arith.constant 0 : i32
      %eq3A_561 = arith.cmpi eq, %jit3A, %eq3A : i32
      %jit3A_562 = arith.constant 1 : i32
      %select_n3A = arith.select %eq3A_561, %jit3A_562, %jit3A : i32
      %rem3A = vector.broadcast %select_n3A : i32 to vector<16xi32>
      %rem3A_563 = arith.remsi %add3A_560, %rem3A : vector<16xi32>
      %ne3A = arith.constant 0 : i32
      %ne3A_564 = vector.broadcast %ne3A : i32 to vector<16xi32>
      %ne3A_565 = arith.cmpi ne, %rem3A_563, %ne3A_564 : vector<16xi32>
      %lt3A = arith.constant 0 : i32
      %lt3A_566 = vector.broadcast %lt3A : i32 to vector<16xi32>
      %lt3A_567 = arith.cmpi slt, %rem3A_563, %lt3A_566 : vector<16xi32>
      %lt3A_568 = arith.constant 0 : i32
      %lt3A_569 = arith.cmpi slt, %select_n3A, %lt3A_568 : i32
      %ne3A_570 = vector.broadcast %lt3A_569 : i1 to vector<16xi1>
      %ne3A_571 = vector.broadcast %ne3A_570 : vector<16xi1> to vector<16xi1>
      %ne3A_572 = arith.xori %lt3A_567, %ne3A_571 : vector<16xi1>
      %and3A = arith.andi %ne3A_572, %ne3A_565 : vector<16xi1>
      %add3A_573 = vector.broadcast %select_n3A : i32 to vector<16xi32>
      %add3A_574 = arith.addi %rem3A_563, %add3A_573 : vector<16xi32>
      %select_n3A_575 = arith.select %and3A, %add3A_574, %rem3A_563 : vector<16xi1>, vector<16xi32>
      %sub3A = arith.constant 9 : i32
      %sub3A_576 = vector.broadcast %sub3A : i32 to vector<16xi32>
      %sub3A_577 = arith.subi %sub3A_576, %select_n3A_575 : vector<16xi32>
      %shift_right_arithmetic3A = arith.shrsi %broadcast_in_dim3A_299, %sub3A_577 : vector<16xi32>
      %and3A_578 = arith.constant 1 : i32
      %and3A_579 = vector.broadcast %and3A_578 : i32 to vector<16xi32>
      %and3A_580 = arith.andi %shift_right_arithmetic3A, %and3A_579 : vector<16xi32>
      %convert_element_type3A = arith.sitofp %and3A_580 : vector<16xi32> to vector<16xf32>
      %mul3A_581 = arith.constant 16 : i32
      %mul3A_582 = arith.muli %mul3A_581, %scan3A_555 : i32
      %add3A_583 = arith.constant 256 : i32
      %add3A_584 = arith.addi %add3A_583, %mul3A_582 : i32
      %get3A = arith.index_cast %add3A_584 : i32 to index
      %get3A_585 = tpu.vector_load %arg8[%get3A] {strides = array<i32>} : memref<1024xf32, #tpu.memory_space<vmem>>, vector<16xf32>,
      %mul3A_586 = arith.constant 2.000000e+00 : f32
      %mul3A_587 = vector.broadcast %mul3A_586 : f32 to vector<16xf32>
      %mul3A_588 = arith.mulf %mul3A_587, %convert_element_type3A : vector<16xf32>
      %sub3A_589 = arith.constant 1.000000e+00 : f32
      %sub3A_590 = vector.broadcast %sub3A_589 : f32 to vector<16xf32>
      %sub3A_591 = arith.subf %sub3A_590, %mul3A_588 : vector<16xf32>
      %mul3A_592 = arith.mulf %get3A_585, %sub3A_591 : vector<16xf32>
      %add3A_593 = arith.addf %mul3A_592, %convert_element_type3A : vector<16xf32>
      %swap3A_594 = arith.index_cast %add3A_584 : i32 to index
      %swap3A_595 = tpu.vector_load %arg8[%swap3A_594] {strides = array<i32>} : memref<1024xf32, #tpu.memory_space<vmem>>, vector<16xf32>,
      tpu.vector_store %arg8[%swap3A_594], %add3A_593 {strides = array<i32>} : memref<1024xf32, #tpu.memory_space<vmem>>, vector<16xf32>,
      %scan3A_596 = arith.constant 0 : i32
      scf.yield %scan3A_596 : i32
    }
    %scan3A_306 = arith.constant 4 : i32
    %add3A_307 = arith.constant 5 : i32
    %add3A_308 = arith.addi %mul3A_2, %add3A_307 : i32
    %broadcast_in_dim3A_309 = vector.broadcast %add3A_308 : i32 to vector<16xi32>
    %scan3A_310 = arith.constant 0 : i32
    %scan3A_311 = arith.constant 0 : i32
    %scan3A_312 = arith.constant 4 : i32
    %scan3A_313 = arith.addi %scan3A_311, %scan3A_312 : i32
    %scan3A_314 = arith.constant 1 : i32
    %scan3A_315 = scf.for %scan3A_555 = %scan3A_311 to %scan3A_313 step %scan3A_314 iter_args(%scan3A_556 = %scan3A_310) -> (i32)  : i32 {
      %mul3A_557 = arith.constant 16 : i32
      %mul3A_558 = arith.muli %mul3A_557, %scan3A_555 : i32
      %add3A_559 = vector.broadcast %mul3A_558 : i32 to vector<16xi32>
      %add3A_560 = arith.addi %iota3A, %add3A_559 : vector<16xi32>
      %jit3A = arith.constant 10 : i32
      %eq3A = arith.constant 0 : i32
      %eq3A_561 = arith.cmpi eq, %jit3A, %eq3A : i32
      %jit3A_562 = arith.constant 1 : i32
      %select_n3A = arith.select %eq3A_561, %jit3A_562, %jit3A : i32
      %rem3A = vector.broadcast %select_n3A : i32 to vector<16xi32>
      %rem3A_563 = arith.remsi %add3A_560, %rem3A : vector<16xi32>
      %ne3A = arith.constant 0 : i32
      %ne3A_564 = vector.broadcast %ne3A : i32 to vector<16xi32>
      %ne3A_565 = arith.cmpi ne, %rem3A_563, %ne3A_564 : vector<16xi32>
      %lt3A = arith.constant 0 : i32
      %lt3A_566 = vector.broadcast %lt3A : i32 to vector<16xi32>
      %lt3A_567 = arith.cmpi slt, %rem3A_563, %lt3A_566 : vector<16xi32>
      %lt3A_568 = arith.constant 0 : i32
      %lt3A_569 = arith.cmpi slt, %select_n3A, %lt3A_568 : i32
      %ne3A_570 = vector.broadcast %lt3A_569 : i1 to vector<16xi1>
      %ne3A_571 = vector.broadcast %ne3A_570 : vector<16xi1> to vector<16xi1>
      %ne3A_572 = arith.xori %lt3A_567, %ne3A_571 : vector<16xi1>
      %and3A = arith.andi %ne3A_572, %ne3A_565 : vector<16xi1>
      %add3A_573 = vector.broadcast %select_n3A : i32 to vector<16xi32>
      %add3A_574 = arith.addi %rem3A_563, %add3A_573 : vector<16xi32>
      %select_n3A_575 = arith.select %and3A, %add3A_574, %rem3A_563 : vector<16xi1>, vector<16xi32>
      %sub3A = arith.constant 9 : i32
      %sub3A_576 = vector.broadcast %sub3A : i32 to vector<16xi32>
      %sub3A_577 = arith.subi %sub3A_576, %select_n3A_575 : vector<16xi32>
      %shift_right_arithmetic3A = arith.shrsi %broadcast_in_dim3A_309, %sub3A_577 : vector<16xi32>
      %and3A_578 = arith.constant 1 : i32
      %and3A_579 = vector.broadcast %and3A_578 : i32 to vector<16xi32>
      %and3A_580 = arith.andi %shift_right_arithmetic3A, %and3A_579 : vector<16xi32>
      %convert_element_type3A = arith.sitofp %and3A_580 : vector<16xi32> to vector<16xf32>
      %mul3A_581 = arith.constant 16 : i32
      %mul3A_582 = arith.muli %mul3A_581, %scan3A_555 : i32
      %add3A_583 = arith.constant 320 : i32
      %add3A_584 = arith.addi %add3A_583, %mul3A_582 : i32
      %get3A = arith.index_cast %add3A_584 : i32 to index
      %get3A_585 = tpu.vector_load %arg8[%get3A] {strides = array<i32>} : memref<1024xf32, #tpu.memory_space<vmem>>, vector<16xf32>,
      %mul3A_586 = arith.constant 2.000000e+00 : f32
      %mul3A_587 = vector.broadcast %mul3A_586 : f32 to vector<16xf32>
      %mul3A_588 = arith.mulf %mul3A_587, %convert_element_type3A : vector<16xf32>
      %sub3A_589 = arith.constant 1.000000e+00 : f32
      %sub3A_590 = vector.broadcast %sub3A_589 : f32 to vector<16xf32>
      %sub3A_591 = arith.subf %sub3A_590, %mul3A_588 : vector<16xf32>
      %mul3A_592 = arith.mulf %get3A_585, %sub3A_591 : vector<16xf32>
      %add3A_593 = arith.addf %mul3A_592, %convert_element_type3A : vector<16xf32>
      %swap3A_594 = arith.index_cast %add3A_584 : i32 to index
      %swap3A_595 = tpu.vector_load %arg8[%swap3A_594] {strides = array<i32>} : memref<1024xf32, #tpu.memory_space<vmem>>, vector<16xf32>,
      tpu.vector_store %arg8[%swap3A_594], %add3A_593 {strides = array<i32>} : memref<1024xf32, #tpu.memory_space<vmem>>, vector<16xf32>,
      %scan3A_596 = arith.constant 0 : i32
      scf.yield %scan3A_596 : i32
    }
    %scan3A_316 = arith.constant 4 : i32
    %mul3A_317 = arith.constant 1024 : i32
    %mul3A_318 = arith.muli %add3A, %mul3A_317 : i32
    %add3A_319 = arith.constant 256 : i32
    %add3A_320 = arith.addi %mul3A_318, %add3A_319 : i32
    %dma_start3A_321 = arith.constant 256 : i32
    %dma_start3A_322 = tpu.memref_slice %arg8[%dma_start3A_321] : memref<1024xf32, #tpu.memory_space<vmem>> -> memref<128xf32, #tpu.memory_space<vmem>>
    %dma_start3A_323 = tpu.memref_slice %arg4[%add3A_320] : memref<32768xf32, #tpu.memory_space<hbm>> -> memref<128xf32, #tpu.memory_space<hbm>>
    %dma_start3A_324 = tpu.memref_slice %arg4[%add3A_320] : memref<32768xf32, #tpu.memory_space<hbm>> -> memref<128xf32, #tpu.memory_space<hbm>>
    %dma_start3A_325 = arith.constant 256 : i32
    %dma_start3A_326 = tpu.memref_slice %arg8[%dma_start3A_325] : memref<1024xf32, #tpu.memory_space<vmem>> -> memref<128xf32, #tpu.memory_space<vmem>>
    tpu.enqueue_dma source(%dma_start3A_326 : memref<128xf32, #tpu.memory_space<vmem>>) target(%dma_start3A_324 : memref<128xf32, #tpu.memory_space<hbm>>) target_semaphore(%arg17 : memref<!tpu.dma_semaphore, #tpu.memory_space<semaphore_mem>>)
    %dma_wait3A_327 = arith.constant 384 : i32
    %dma_wait3A_328 = tpu.memref_slice %arg8[%dma_wait3A_327] : memref<1024xf32, #tpu.memory_space<vmem>> -> memref<128xf32, #tpu.memory_space<vmem>>
    %dma_wait3A_329 = arith.constant 384 : i32
    %dma_wait3A_330 = tpu.memref_slice %arg7[%dma_wait3A_329] : memref<1024xi32, #tpu.memory_space<vmem>> -> memref<128xi32, #tpu.memory_space<vmem>>
    %dma_wait3A_331 = arith.constant 0 : i32
    %dma_wait3A_332 = tpu.memref_slice %arg3[%dma_wait3A_331] : memref<262144xf32, #tpu.memory_space<hbm>> -> memref<262144xf32, #tpu.memory_space<hbm>>
    tpu.wait_indirect_dma semaphore(%arg12 : memref<!tpu.dma_semaphore, #tpu.memory_space<semaphore_mem>>) src(%dma_wait3A_332 : memref<262144xf32, #tpu.memory_space<hbm>>) dst(%dma_wait3A_328 : memref<128xf32, #tpu.memory_space<vmem>>)
    %add3A_333 = arith.constant 6 : i32
    %add3A_334 = arith.addi %mul3A_2, %add3A_333 : i32
    %broadcast_in_dim3A_335 = vector.broadcast %add3A_334 : i32 to vector<16xi32>
    %scan3A_336 = arith.constant 0 : i32
    %scan3A_337 = arith.constant 0 : i32
    %scan3A_338 = arith.constant 4 : i32
    %scan3A_339 = arith.addi %scan3A_337, %scan3A_338 : i32
    %scan3A_340 = arith.constant 1 : i32
    %scan3A_341 = scf.for %scan3A_555 = %scan3A_337 to %scan3A_339 step %scan3A_340 iter_args(%scan3A_556 = %scan3A_336) -> (i32)  : i32 {
      %mul3A_557 = arith.constant 16 : i32
      %mul3A_558 = arith.muli %mul3A_557, %scan3A_555 : i32
      %add3A_559 = vector.broadcast %mul3A_558 : i32 to vector<16xi32>
      %add3A_560 = arith.addi %iota3A, %add3A_559 : vector<16xi32>
      %jit3A = arith.constant 10 : i32
      %eq3A = arith.constant 0 : i32
      %eq3A_561 = arith.cmpi eq, %jit3A, %eq3A : i32
      %jit3A_562 = arith.constant 1 : i32
      %select_n3A = arith.select %eq3A_561, %jit3A_562, %jit3A : i32
      %rem3A = vector.broadcast %select_n3A : i32 to vector<16xi32>
      %rem3A_563 = arith.remsi %add3A_560, %rem3A : vector<16xi32>
      %ne3A = arith.constant 0 : i32
      %ne3A_564 = vector.broadcast %ne3A : i32 to vector<16xi32>
      %ne3A_565 = arith.cmpi ne, %rem3A_563, %ne3A_564 : vector<16xi32>
      %lt3A = arith.constant 0 : i32
      %lt3A_566 = vector.broadcast %lt3A : i32 to vector<16xi32>
      %lt3A_567 = arith.cmpi slt, %rem3A_563, %lt3A_566 : vector<16xi32>
      %lt3A_568 = arith.constant 0 : i32
      %lt3A_569 = arith.cmpi slt, %select_n3A, %lt3A_568 : i32
      %ne3A_570 = vector.broadcast %lt3A_569 : i1 to vector<16xi1>
      %ne3A_571 = vector.broadcast %ne3A_570 : vector<16xi1> to vector<16xi1>
      %ne3A_572 = arith.xori %lt3A_567, %ne3A_571 : vector<16xi1>
      %and3A = arith.andi %ne3A_572, %ne3A_565 : vector<16xi1>
      %add3A_573 = vector.broadcast %select_n3A : i32 to vector<16xi32>
      %add3A_574 = arith.addi %rem3A_563, %add3A_573 : vector<16xi32>
      %select_n3A_575 = arith.select %and3A, %add3A_574, %rem3A_563 : vector<16xi1>, vector<16xi32>
      %sub3A = arith.constant 9 : i32
      %sub3A_576 = vector.broadcast %sub3A : i32 to vector<16xi32>
      %sub3A_577 = arith.subi %sub3A_576, %select_n3A_575 : vector<16xi32>
      %shift_right_arithmetic3A = arith.shrsi %broadcast_in_dim3A_335, %sub3A_577 : vector<16xi32>
      %and3A_578 = arith.constant 1 : i32
      %and3A_579 = vector.broadcast %and3A_578 : i32 to vector<16xi32>
      %and3A_580 = arith.andi %shift_right_arithmetic3A, %and3A_579 : vector<16xi32>
      %convert_element_type3A = arith.sitofp %and3A_580 : vector<16xi32> to vector<16xf32>
      %mul3A_581 = arith.constant 16 : i32
      %mul3A_582 = arith.muli %mul3A_581, %scan3A_555 : i32
      %add3A_583 = arith.constant 384 : i32
      %add3A_584 = arith.addi %add3A_583, %mul3A_582 : i32
      %get3A = arith.index_cast %add3A_584 : i32 to index
      %get3A_585 = tpu.vector_load %arg8[%get3A] {strides = array<i32>} : memref<1024xf32, #tpu.memory_space<vmem>>, vector<16xf32>,
      %mul3A_586 = arith.constant 2.000000e+00 : f32
      %mul3A_587 = vector.broadcast %mul3A_586 : f32 to vector<16xf32>
      %mul3A_588 = arith.mulf %mul3A_587, %convert_element_type3A : vector<16xf32>
      %sub3A_589 = arith.constant 1.000000e+00 : f32
      %sub3A_590 = vector.broadcast %sub3A_589 : f32 to vector<16xf32>
      %sub3A_591 = arith.subf %sub3A_590, %mul3A_588 : vector<16xf32>
      %mul3A_592 = arith.mulf %get3A_585, %sub3A_591 : vector<16xf32>
      %add3A_593 = arith.addf %mul3A_592, %convert_element_type3A : vector<16xf32>
      %swap3A_594 = arith.index_cast %add3A_584 : i32 to index
      %swap3A_595 = tpu.vector_load %arg8[%swap3A_594] {strides = array<i32>} : memref<1024xf32, #tpu.memory_space<vmem>>, vector<16xf32>,
      tpu.vector_store %arg8[%swap3A_594], %add3A_593 {strides = array<i32>} : memref<1024xf32, #tpu.memory_space<vmem>>, vector<16xf32>,
      %scan3A_596 = arith.constant 0 : i32
      scf.yield %scan3A_596 : i32
    }
    %scan3A_342 = arith.constant 4 : i32
    %add3A_343 = arith.constant 7 : i32
    %add3A_344 = arith.addi %mul3A_2, %add3A_343 : i32
    %broadcast_in_dim3A_345 = vector.broadcast %add3A_344 : i32 to vector<16xi32>
    %scan3A_346 = arith.constant 0 : i32
    %scan3A_347 = arith.constant 0 : i32
    %scan3A_348 = arith.constant 4 : i32
    %scan3A_349 = arith.addi %scan3A_347, %scan3A_348 : i32
    %scan3A_350 = arith.constant 1 : i32
    %scan3A_351 = scf.for %scan3A_555 = %scan3A_347 to %scan3A_349 step %scan3A_350 iter_args(%scan3A_556 = %scan3A_346) -> (i32)  : i32 {
      %mul3A_557 = arith.constant 16 : i32
      %mul3A_558 = arith.muli %mul3A_557, %scan3A_555 : i32
      %add3A_559 = vector.broadcast %mul3A_558 : i32 to vector<16xi32>
      %add3A_560 = arith.addi %iota3A, %add3A_559 : vector<16xi32>
      %jit3A = arith.constant 10 : i32
      %eq3A = arith.constant 0 : i32
      %eq3A_561 = arith.cmpi eq, %jit3A, %eq3A : i32
      %jit3A_562 = arith.constant 1 : i32
      %select_n3A = arith.select %eq3A_561, %jit3A_562, %jit3A : i32
      %rem3A = vector.broadcast %select_n3A : i32 to vector<16xi32>
      %rem3A_563 = arith.remsi %add3A_560, %rem3A : vector<16xi32>
      %ne3A = arith.constant 0 : i32
      %ne3A_564 = vector.broadcast %ne3A : i32 to vector<16xi32>
      %ne3A_565 = arith.cmpi ne, %rem3A_563, %ne3A_564 : vector<16xi32>
      %lt3A = arith.constant 0 : i32
      %lt3A_566 = vector.broadcast %lt3A : i32 to vector<16xi32>
      %lt3A_567 = arith.cmpi slt, %rem3A_563, %lt3A_566 : vector<16xi32>
      %lt3A_568 = arith.constant 0 : i32
      %lt3A_569 = arith.cmpi slt, %select_n3A, %lt3A_568 : i32
      %ne3A_570 = vector.broadcast %lt3A_569 : i1 to vector<16xi1>
      %ne3A_571 = vector.broadcast %ne3A_570 : vector<16xi1> to vector<16xi1>
      %ne3A_572 = arith.xori %lt3A_567, %ne3A_571 : vector<16xi1>
      %and3A = arith.andi %ne3A_572, %ne3A_565 : vector<16xi1>
      %add3A_573 = vector.broadcast %select_n3A : i32 to vector<16xi32>
      %add3A_574 = arith.addi %rem3A_563, %add3A_573 : vector<16xi32>
      %select_n3A_575 = arith.select %and3A, %add3A_574, %rem3A_563 : vector<16xi1>, vector<16xi32>
      %sub3A = arith.constant 9 : i32
      %sub3A_576 = vector.broadcast %sub3A : i32 to vector<16xi32>
      %sub3A_577 = arith.subi %sub3A_576, %select_n3A_575 : vector<16xi32>
      %shift_right_arithmetic3A = arith.shrsi %broadcast_in_dim3A_345, %sub3A_577 : vector<16xi32>
      %and3A_578 = arith.constant 1 : i32
      %and3A_579 = vector.broadcast %and3A_578 : i32 to vector<16xi32>
      %and3A_580 = arith.andi %shift_right_arithmetic3A, %and3A_579 : vector<16xi32>
      %convert_element_type3A = arith.sitofp %and3A_580 : vector<16xi32> to vector<16xf32>
      %mul3A_581 = arith.constant 16 : i32
      %mul3A_582 = arith.muli %mul3A_581, %scan3A_555 : i32
      %add3A_583 = arith.constant 448 : i32
      %add3A_584 = arith.addi %add3A_583, %mul3A_582 : i32
      %get3A = arith.index_cast %add3A_584 : i32 to index
      %get3A_585 = tpu.vector_load %arg8[%get3A] {strides = array<i32>} : memref<1024xf32, #tpu.memory_space<vmem>>, vector<16xf32>,
      %mul3A_586 = arith.constant 2.000000e+00 : f32
      %mul3A_587 = vector.broadcast %mul3A_586 : f32 to vector<16xf32>
      %mul3A_588 = arith.mulf %mul3A_587, %convert_element_type3A : vector<16xf32>
      %sub3A_589 = arith.constant 1.000000e+00 : f32
      %sub3A_590 = vector.broadcast %sub3A_589 : f32 to vector<16xf32>
      %sub3A_591 = arith.subf %sub3A_590, %mul3A_588 : vector<16xf32>
      %mul3A_592 = arith.mulf %get3A_585, %sub3A_591 : vector<16xf32>
      %add3A_593 = arith.addf %mul3A_592, %convert_element_type3A : vector<16xf32>
      %swap3A_594 = arith.index_cast %add3A_584 : i32 to index
      %swap3A_595 = tpu.vector_load %arg8[%swap3A_594] {strides = array<i32>} : memref<1024xf32, #tpu.memory_space<vmem>>, vector<16xf32>,
      tpu.vector_store %arg8[%swap3A_594], %add3A_593 {strides = array<i32>} : memref<1024xf32, #tpu.memory_space<vmem>>, vector<16xf32>,
      %scan3A_596 = arith.constant 0 : i32
      scf.yield %scan3A_596 : i32
    }
    %scan3A_352 = arith.constant 4 : i32
    %mul3A_353 = arith.constant 1024 : i32
    %mul3A_354 = arith.muli %add3A, %mul3A_353 : i32
    %add3A_355 = arith.constant 384 : i32
    %add3A_356 = arith.addi %mul3A_354, %add3A_355 : i32
    %dma_start3A_357 = arith.constant 384 : i32
    %dma_start3A_358 = tpu.memref_slice %arg8[%dma_start3A_357] : memref<1024xf32, #tpu.memory_space<vmem>> -> memref<128xf32, #tpu.memory_space<vmem>>
    %dma_start3A_359 = tpu.memref_slice %arg4[%add3A_356] : memref<32768xf32, #tpu.memory_space<hbm>> -> memref<128xf32, #tpu.memory_space<hbm>>
    %dma_start3A_360 = tpu.memref_slice %arg4[%add3A_356] : memref<32768xf32, #tpu.memory_space<hbm>> -> memref<128xf32, #tpu.memory_space<hbm>>
    %dma_start3A_361 = arith.constant 384 : i32
    %dma_start3A_362 = tpu.memref_slice %arg8[%dma_start3A_361] : memref<1024xf32, #tpu.memory_space<vmem>> -> memref<128xf32, #tpu.memory_space<vmem>>
    tpu.enqueue_dma source(%dma_start3A_362 : memref<128xf32, #tpu.memory_space<vmem>>) target(%dma_start3A_360 : memref<128xf32, #tpu.memory_space<hbm>>) target_semaphore(%arg17 : memref<!tpu.dma_semaphore, #tpu.memory_space<semaphore_mem>>)
    %dma_wait3A_363 = arith.constant 512 : i32
    %dma_wait3A_364 = tpu.memref_slice %arg8[%dma_wait3A_363] : memref<1024xf32, #tpu.memory_space<vmem>> -> memref<128xf32, #tpu.memory_space<vmem>>
    %dma_wait3A_365 = arith.constant 512 : i32
    %dma_wait3A_366 = tpu.memref_slice %arg7[%dma_wait3A_365] : memref<1024xi32, #tpu.memory_space<vmem>> -> memref<128xi32, #tpu.memory_space<vmem>>
    %dma_wait3A_367 = arith.constant 0 : i32
    %dma_wait3A_368 = tpu.memref_slice %arg3[%dma_wait3A_367] : memref<262144xf32, #tpu.memory_space<hbm>> -> memref<262144xf32, #tpu.memory_space<hbm>>
    tpu.wait_indirect_dma semaphore(%arg13 : memref<!tpu.dma_semaphore, #tpu.memory_space<semaphore_mem>>) src(%dma_wait3A_368 : memref<262144xf32, #tpu.memory_space<hbm>>) dst(%dma_wait3A_364 : memref<128xf32, #tpu.memory_space<vmem>>)
    %add3A_369 = arith.constant 8 : i32
    %add3A_370 = arith.addi %mul3A_2, %add3A_369 : i32
    %broadcast_in_dim3A_371 = vector.broadcast %add3A_370 : i32 to vector<16xi32>
    %scan3A_372 = arith.constant 0 : i32
    %scan3A_373 = arith.constant 0 : i32
    %scan3A_374 = arith.constant 4 : i32
    %scan3A_375 = arith.addi %scan3A_373, %scan3A_374 : i32
    %scan3A_376 = arith.constant 1 : i32
    %scan3A_377 = scf.for %scan3A_555 = %scan3A_373 to %scan3A_375 step %scan3A_376 iter_args(%scan3A_556 = %scan3A_372) -> (i32)  : i32 {
      %mul3A_557 = arith.constant 16 : i32
      %mul3A_558 = arith.muli %mul3A_557, %scan3A_555 : i32
      %add3A_559 = vector.broadcast %mul3A_558 : i32 to vector<16xi32>
      %add3A_560 = arith.addi %iota3A, %add3A_559 : vector<16xi32>
      %jit3A = arith.constant 10 : i32
      %eq3A = arith.constant 0 : i32
      %eq3A_561 = arith.cmpi eq, %jit3A, %eq3A : i32
      %jit3A_562 = arith.constant 1 : i32
      %select_n3A = arith.select %eq3A_561, %jit3A_562, %jit3A : i32
      %rem3A = vector.broadcast %select_n3A : i32 to vector<16xi32>
      %rem3A_563 = arith.remsi %add3A_560, %rem3A : vector<16xi32>
      %ne3A = arith.constant 0 : i32
      %ne3A_564 = vector.broadcast %ne3A : i32 to vector<16xi32>
      %ne3A_565 = arith.cmpi ne, %rem3A_563, %ne3A_564 : vector<16xi32>
      %lt3A = arith.constant 0 : i32
      %lt3A_566 = vector.broadcast %lt3A : i32 to vector<16xi32>
      %lt3A_567 = arith.cmpi slt, %rem3A_563, %lt3A_566 : vector<16xi32>
      %lt3A_568 = arith.constant 0 : i32
      %lt3A_569 = arith.cmpi slt, %select_n3A, %lt3A_568 : i32
      %ne3A_570 = vector.broadcast %lt3A_569 : i1 to vector<16xi1>
      %ne3A_571 = vector.broadcast %ne3A_570 : vector<16xi1> to vector<16xi1>
      %ne3A_572 = arith.xori %lt3A_567, %ne3A_571 : vector<16xi1>
      %and3A = arith.andi %ne3A_572, %ne3A_565 : vector<16xi1>
      %add3A_573 = vector.broadcast %select_n3A : i32 to vector<16xi32>
      %add3A_574 = arith.addi %rem3A_563, %add3A_573 : vector<16xi32>
      %select_n3A_575 = arith.select %and3A, %add3A_574, %rem3A_563 : vector<16xi1>, vector<16xi32>
      %sub3A = arith.constant 9 : i32
      %sub3A_576 = vector.broadcast %sub3A : i32 to vector<16xi32>
      %sub3A_577 = arith.subi %sub3A_576, %select_n3A_575 : vector<16xi32>
      %shift_right_arithmetic3A = arith.shrsi %broadcast_in_dim3A_371, %sub3A_577 : vector<16xi32>
      %and3A_578 = arith.constant 1 : i32
      %and3A_579 = vector.broadcast %and3A_578 : i32 to vector<16xi32>
      %and3A_580 = arith.andi %shift_right_arithmetic3A, %and3A_579 : vector<16xi32>
      %convert_element_type3A = arith.sitofp %and3A_580 : vector<16xi32> to vector<16xf32>
      %mul3A_581 = arith.constant 16 : i32
      %mul3A_582 = arith.muli %mul3A_581, %scan3A_555 : i32
      %add3A_583 = arith.constant 512 : i32
      %add3A_584 = arith.addi %add3A_583, %mul3A_582 : i32
      %get3A = arith.index_cast %add3A_584 : i32 to index
      %get3A_585 = tpu.vector_load %arg8[%get3A] {strides = array<i32>} : memref<1024xf32, #tpu.memory_space<vmem>>, vector<16xf32>,
      %mul3A_586 = arith.constant 2.000000e+00 : f32
      %mul3A_587 = vector.broadcast %mul3A_586 : f32 to vector<16xf32>
      %mul3A_588 = arith.mulf %mul3A_587, %convert_element_type3A : vector<16xf32>
      %sub3A_589 = arith.constant 1.000000e+00 : f32
      %sub3A_590 = vector.broadcast %sub3A_589 : f32 to vector<16xf32>
      %sub3A_591 = arith.subf %sub3A_590, %mul3A_588 : vector<16xf32>
      %mul3A_592 = arith.mulf %get3A_585, %sub3A_591 : vector<16xf32>
      %add3A_593 = arith.addf %mul3A_592, %convert_element_type3A : vector<16xf32>
      %swap3A_594 = arith.index_cast %add3A_584 : i32 to index
      %swap3A_595 = tpu.vector_load %arg8[%swap3A_594] {strides = array<i32>} : memref<1024xf32, #tpu.memory_space<vmem>>, vector<16xf32>,
      tpu.vector_store %arg8[%swap3A_594], %add3A_593 {strides = array<i32>} : memref<1024xf32, #tpu.memory_space<vmem>>, vector<16xf32>,
      %scan3A_596 = arith.constant 0 : i32
      scf.yield %scan3A_596 : i32
    }
    %scan3A_378 = arith.constant 4 : i32
    %add3A_379 = arith.constant 9 : i32
    %add3A_380 = arith.addi %mul3A_2, %add3A_379 : i32
    %broadcast_in_dim3A_381 = vector.broadcast %add3A_380 : i32 to vector<16xi32>
    %scan3A_382 = arith.constant 0 : i32
    %scan3A_383 = arith.constant 0 : i32
    %scan3A_384 = arith.constant 4 : i32
    %scan3A_385 = arith.addi %scan3A_383, %scan3A_384 : i32
    %scan3A_386 = arith.constant 1 : i32
    %scan3A_387 = scf.for %scan3A_555 = %scan3A_383 to %scan3A_385 step %scan3A_386 iter_args(%scan3A_556 = %scan3A_382) -> (i32)  : i32 {
      %mul3A_557 = arith.constant 16 : i32
      %mul3A_558 = arith.muli %mul3A_557, %scan3A_555 : i32
      %add3A_559 = vector.broadcast %mul3A_558 : i32 to vector<16xi32>
      %add3A_560 = arith.addi %iota3A, %add3A_559 : vector<16xi32>
      %jit3A = arith.constant 10 : i32
      %eq3A = arith.constant 0 : i32
      %eq3A_561 = arith.cmpi eq, %jit3A, %eq3A : i32
      %jit3A_562 = arith.constant 1 : i32
      %select_n3A = arith.select %eq3A_561, %jit3A_562, %jit3A : i32
      %rem3A = vector.broadcast %select_n3A : i32 to vector<16xi32>
      %rem3A_563 = arith.remsi %add3A_560, %rem3A : vector<16xi32>
      %ne3A = arith.constant 0 : i32
      %ne3A_564 = vector.broadcast %ne3A : i32 to vector<16xi32>
      %ne3A_565 = arith.cmpi ne, %rem3A_563, %ne3A_564 : vector<16xi32>
      %lt3A = arith.constant 0 : i32
      %lt3A_566 = vector.broadcast %lt3A : i32 to vector<16xi32>
      %lt3A_567 = arith.cmpi slt, %rem3A_563, %lt3A_566 : vector<16xi32>
      %lt3A_568 = arith.constant 0 : i32
      %lt3A_569 = arith.cmpi slt, %select_n3A, %lt3A_568 : i32
      %ne3A_570 = vector.broadcast %lt3A_569 : i1 to vector<16xi1>
      %ne3A_571 = vector.broadcast %ne3A_570 : vector<16xi1> to vector<16xi1>
      %ne3A_572 = arith.xori %lt3A_567, %ne3A_571 : vector<16xi1>
      %and3A = arith.andi %ne3A_572, %ne3A_565 : vector<16xi1>
      %add3A_573 = vector.broadcast %select_n3A : i32 to vector<16xi32>
      %add3A_574 = arith.addi %rem3A_563, %add3A_573 : vector<16xi32>
      %select_n3A_575 = arith.select %and3A, %add3A_574, %rem3A_563 : vector<16xi1>, vector<16xi32>
      %sub3A = arith.constant 9 : i32
      %sub3A_576 = vector.broadcast %sub3A : i32 to vector<16xi32>
      %sub3A_577 = arith.subi %sub3A_576, %select_n3A_575 : vector<16xi32>
      %shift_right_arithmetic3A = arith.shrsi %broadcast_in_dim3A_381, %sub3A_577 : vector<16xi32>
      %and3A_578 = arith.constant 1 : i32
      %and3A_579 = vector.broadcast %and3A_578 : i32 to vector<16xi32>
      %and3A_580 = arith.andi %shift_right_arithmetic3A, %and3A_579 : vector<16xi32>
      %convert_element_type3A = arith.sitofp %and3A_580 : vector<16xi32> to vector<16xf32>
      %mul3A_581 = arith.constant 16 : i32
      %mul3A_582 = arith.muli %mul3A_581, %scan3A_555 : i32
      %add3A_583 = arith.constant 576 : i32
      %add3A_584 = arith.addi %add3A_583, %mul3A_582 : i32
      %get3A = arith.index_cast %add3A_584 : i32 to index
      %get3A_585 = tpu.vector_load %arg8[%get3A] {strides = array<i32>} : memref<1024xf32, #tpu.memory_space<vmem>>, vector<16xf32>,
      %mul3A_586 = arith.constant 2.000000e+00 : f32
      %mul3A_587 = vector.broadcast %mul3A_586 : f32 to vector<16xf32>
      %mul3A_588 = arith.mulf %mul3A_587, %convert_element_type3A : vector<16xf32>
      %sub3A_589 = arith.constant 1.000000e+00 : f32
      %sub3A_590 = vector.broadcast %sub3A_589 : f32 to vector<16xf32>
      %sub3A_591 = arith.subf %sub3A_590, %mul3A_588 : vector<16xf32>
      %mul3A_592 = arith.mulf %get3A_585, %sub3A_591 : vector<16xf32>
      %add3A_593 = arith.addf %mul3A_592, %convert_element_type3A : vector<16xf32>
      %swap3A_594 = arith.index_cast %add3A_584 : i32 to index
      %swap3A_595 = tpu.vector_load %arg8[%swap3A_594] {strides = array<i32>} : memref<1024xf32, #tpu.memory_space<vmem>>, vector<16xf32>,
      tpu.vector_store %arg8[%swap3A_594], %add3A_593 {strides = array<i32>} : memref<1024xf32, #tpu.memory_space<vmem>>, vector<16xf32>,
      %scan3A_596 = arith.constant 0 : i32
      scf.yield %scan3A_596 : i32
    }
    %scan3A_388 = arith.constant 4 : i32
    %mul3A_389 = arith.constant 1024 : i32
    %mul3A_390 = arith.muli %add3A, %mul3A_389 : i32
    %add3A_391 = arith.constant 512 : i32
    %add3A_392 = arith.addi %mul3A_390, %add3A_391 : i32
    %dma_start3A_393 = arith.constant 512 : i32
    %dma_start3A_394 = tpu.memref_slice %arg8[%dma_start3A_393] : memref<1024xf32, #tpu.memory_space<vmem>> -> memref<128xf32, #tpu.memory_space<vmem>>
    %dma_start3A_395 = tpu.memref_slice %arg4[%add3A_392] : memref<32768xf32, #tpu.memory_space<hbm>> -> memref<128xf32, #tpu.memory_space<hbm>>
    %dma_start3A_396 = tpu.memref_slice %arg4[%add3A_392] : memref<32768xf32, #tpu.memory_space<hbm>> -> memref<128xf32, #tpu.memory_space<hbm>>
    %dma_start3A_397 = arith.constant 512 : i32
    %dma_start3A_398 = tpu.memref_slice %arg8[%dma_start3A_397] : memref<1024xf32, #tpu.memory_space<vmem>> -> memref<128xf32, #tpu.memory_space<vmem>>
    tpu.enqueue_dma source(%dma_start3A_398 : memref<128xf32, #tpu.memory_space<vmem>>) target(%dma_start3A_396 : memref<128xf32, #tpu.memory_space<hbm>>) target_semaphore(%arg17 : memref<!tpu.dma_semaphore, #tpu.memory_space<semaphore_mem>>)
    %dma_wait3A_399 = arith.constant 640 : i32
    %dma_wait3A_400 = tpu.memref_slice %arg8[%dma_wait3A_399] : memref<1024xf32, #tpu.memory_space<vmem>> -> memref<128xf32, #tpu.memory_space<vmem>>
    %dma_wait3A_401 = arith.constant 640 : i32
    %dma_wait3A_402 = tpu.memref_slice %arg7[%dma_wait3A_401] : memref<1024xi32, #tpu.memory_space<vmem>> -> memref<128xi32, #tpu.memory_space<vmem>>
    %dma_wait3A_403 = arith.constant 0 : i32
    %dma_wait3A_404 = tpu.memref_slice %arg3[%dma_wait3A_403] : memref<262144xf32, #tpu.memory_space<hbm>> -> memref<262144xf32, #tpu.memory_space<hbm>>
    tpu.wait_indirect_dma semaphore(%arg14 : memref<!tpu.dma_semaphore, #tpu.memory_space<semaphore_mem>>) src(%dma_wait3A_404 : memref<262144xf32, #tpu.memory_space<hbm>>) dst(%dma_wait3A_400 : memref<128xf32, #tpu.memory_space<vmem>>)
    %add3A_405 = arith.constant 10 : i32
    %add3A_406 = arith.addi %mul3A_2, %add3A_405 : i32
    %broadcast_in_dim3A_407 = vector.broadcast %add3A_406 : i32 to vector<16xi32>
    %scan3A_408 = arith.constant 0 : i32
    %scan3A_409 = arith.constant 0 : i32
    %scan3A_410 = arith.constant 4 : i32
    %scan3A_411 = arith.addi %scan3A_409, %scan3A_410 : i32
    %scan3A_412 = arith.constant 1 : i32
    %scan3A_413 = scf.for %scan3A_555 = %scan3A_409 to %scan3A_411 step %scan3A_412 iter_args(%scan3A_556 = %scan3A_408) -> (i32)  : i32 {
      %mul3A_557 = arith.constant 16 : i32
      %mul3A_558 = arith.muli %mul3A_557, %scan3A_555 : i32
      %add3A_559 = vector.broadcast %mul3A_558 : i32 to vector<16xi32>
      %add3A_560 = arith.addi %iota3A, %add3A_559 : vector<16xi32>
      %jit3A = arith.constant 10 : i32
      %eq3A = arith.constant 0 : i32
      %eq3A_561 = arith.cmpi eq, %jit3A, %eq3A : i32
      %jit3A_562 = arith.constant 1 : i32
      %select_n3A = arith.select %eq3A_561, %jit3A_562, %jit3A : i32
      %rem3A = vector.broadcast %select_n3A : i32 to vector<16xi32>
      %rem3A_563 = arith.remsi %add3A_560, %rem3A : vector<16xi32>
      %ne3A = arith.constant 0 : i32
      %ne3A_564 = vector.broadcast %ne3A : i32 to vector<16xi32>
      %ne3A_565 = arith.cmpi ne, %rem3A_563, %ne3A_564 : vector<16xi32>
      %lt3A = arith.constant 0 : i32
      %lt3A_566 = vector.broadcast %lt3A : i32 to vector<16xi32>
      %lt3A_567 = arith.cmpi slt, %rem3A_563, %lt3A_566 : vector<16xi32>
      %lt3A_568 = arith.constant 0 : i32
      %lt3A_569 = arith.cmpi slt, %select_n3A, %lt3A_568 : i32
      %ne3A_570 = vector.broadcast %lt3A_569 : i1 to vector<16xi1>
      %ne3A_571 = vector.broadcast %ne3A_570 : vector<16xi1> to vector<16xi1>
      %ne3A_572 = arith.xori %lt3A_567, %ne3A_571 : vector<16xi1>
      %and3A = arith.andi %ne3A_572, %ne3A_565 : vector<16xi1>
      %add3A_573 = vector.broadcast %select_n3A : i32 to vector<16xi32>
      %add3A_574 = arith.addi %rem3A_563, %add3A_573 : vector<16xi32>
      %select_n3A_575 = arith.select %and3A, %add3A_574, %rem3A_563 : vector<16xi1>, vector<16xi32>
      %sub3A = arith.constant 9 : i32
      %sub3A_576 = vector.broadcast %sub3A : i32 to vector<16xi32>
      %sub3A_577 = arith.subi %sub3A_576, %select_n3A_575 : vector<16xi32>
      %shift_right_arithmetic3A = arith.shrsi %broadcast_in_dim3A_407, %sub3A_577 : vector<16xi32>
      %and3A_578 = arith.constant 1 : i32
      %and3A_579 = vector.broadcast %and3A_578 : i32 to vector<16xi32>
      %and3A_580 = arith.andi %shift_right_arithmetic3A, %and3A_579 : vector<16xi32>
      %convert_element_type3A = arith.sitofp %and3A_580 : vector<16xi32> to vector<16xf32>
      %mul3A_581 = arith.constant 16 : i32
      %mul3A_582 = arith.muli %mul3A_581, %scan3A_555 : i32
      %add3A_583 = arith.constant 640 : i32
      %add3A_584 = arith.addi %add3A_583, %mul3A_582 : i32
      %get3A = arith.index_cast %add3A_584 : i32 to index
      %get3A_585 = tpu.vector_load %arg8[%get3A] {strides = array<i32>} : memref<1024xf32, #tpu.memory_space<vmem>>, vector<16xf32>,
      %mul3A_586 = arith.constant 2.000000e+00 : f32
      %mul3A_587 = vector.broadcast %mul3A_586 : f32 to vector<16xf32>
      %mul3A_588 = arith.mulf %mul3A_587, %convert_element_type3A : vector<16xf32>
      %sub3A_589 = arith.constant 1.000000e+00 : f32
      %sub3A_590 = vector.broadcast %sub3A_589 : f32 to vector<16xf32>
      %sub3A_591 = arith.subf %sub3A_590, %mul3A_588 : vector<16xf32>
      %mul3A_592 = arith.mulf %get3A_585, %sub3A_591 : vector<16xf32>
      %add3A_593 = arith.addf %mul3A_592, %convert_element_type3A : vector<16xf32>
      %swap3A_594 = arith.index_cast %add3A_584 : i32 to index
      %swap3A_595 = tpu.vector_load %arg8[%swap3A_594] {strides = array<i32>} : memref<1024xf32, #tpu.memory_space<vmem>>, vector<16xf32>,
      tpu.vector_store %arg8[%swap3A_594], %add3A_593 {strides = array<i32>} : memref<1024xf32, #tpu.memory_space<vmem>>, vector<16xf32>,
      %scan3A_596 = arith.constant 0 : i32
      scf.yield %scan3A_596 : i32
    }
    %scan3A_414 = arith.constant 4 : i32
    %add3A_415 = arith.constant 11 : i32
    %add3A_416 = arith.addi %mul3A_2, %add3A_415 : i32
    %broadcast_in_dim3A_417 = vector.broadcast %add3A_416 : i32 to vector<16xi32>
    %scan3A_418 = arith.constant 0 : i32
    %scan3A_419 = arith.constant 0 : i32
    %scan3A_420 = arith.constant 4 : i32
    %scan3A_421 = arith.addi %scan3A_419, %scan3A_420 : i32
    %scan3A_422 = arith.constant 1 : i32
    %scan3A_423 = scf.for %scan3A_555 = %scan3A_419 to %scan3A_421 step %scan3A_422 iter_args(%scan3A_556 = %scan3A_418) -> (i32)  : i32 {
      %mul3A_557 = arith.constant 16 : i32
      %mul3A_558 = arith.muli %mul3A_557, %scan3A_555 : i32
      %add3A_559 = vector.broadcast %mul3A_558 : i32 to vector<16xi32>
      %add3A_560 = arith.addi %iota3A, %add3A_559 : vector<16xi32>
      %jit3A = arith.constant 10 : i32
      %eq3A = arith.constant 0 : i32
      %eq3A_561 = arith.cmpi eq, %jit3A, %eq3A : i32
      %jit3A_562 = arith.constant 1 : i32
      %select_n3A = arith.select %eq3A_561, %jit3A_562, %jit3A : i32
      %rem3A = vector.broadcast %select_n3A : i32 to vector<16xi32>
      %rem3A_563 = arith.remsi %add3A_560, %rem3A : vector<16xi32>
      %ne3A = arith.constant 0 : i32
      %ne3A_564 = vector.broadcast %ne3A : i32 to vector<16xi32>
      %ne3A_565 = arith.cmpi ne, %rem3A_563, %ne3A_564 : vector<16xi32>
      %lt3A = arith.constant 0 : i32
      %lt3A_566 = vector.broadcast %lt3A : i32 to vector<16xi32>
      %lt3A_567 = arith.cmpi slt, %rem3A_563, %lt3A_566 : vector<16xi32>
      %lt3A_568 = arith.constant 0 : i32
      %lt3A_569 = arith.cmpi slt, %select_n3A, %lt3A_568 : i32
      %ne3A_570 = vector.broadcast %lt3A_569 : i1 to vector<16xi1>
      %ne3A_571 = vector.broadcast %ne3A_570 : vector<16xi1> to vector<16xi1>
      %ne3A_572 = arith.xori %lt3A_567, %ne3A_571 : vector<16xi1>
      %and3A = arith.andi %ne3A_572, %ne3A_565 : vector<16xi1>
      %add3A_573 = vector.broadcast %select_n3A : i32 to vector<16xi32>
      %add3A_574 = arith.addi %rem3A_563, %add3A_573 : vector<16xi32>
      %select_n3A_575 = arith.select %and3A, %add3A_574, %rem3A_563 : vector<16xi1>, vector<16xi32>
      %sub3A = arith.constant 9 : i32
      %sub3A_576 = vector.broadcast %sub3A : i32 to vector<16xi32>
      %sub3A_577 = arith.subi %sub3A_576, %select_n3A_575 : vector<16xi32>
      %shift_right_arithmetic3A = arith.shrsi %broadcast_in_dim3A_417, %sub3A_577 : vector<16xi32>
      %and3A_578 = arith.constant 1 : i32
      %and3A_579 = vector.broadcast %and3A_578 : i32 to vector<16xi32>
      %and3A_580 = arith.andi %shift_right_arithmetic3A, %and3A_579 : vector<16xi32>
      %convert_element_type3A = arith.sitofp %and3A_580 : vector<16xi32> to vector<16xf32>
      %mul3A_581 = arith.constant 16 : i32
      %mul3A_582 = arith.muli %mul3A_581, %scan3A_555 : i32
      %add3A_583 = arith.constant 704 : i32
      %add3A_584 = arith.addi %add3A_583, %mul3A_582 : i32
      %get3A = arith.index_cast %add3A_584 : i32 to index
      %get3A_585 = tpu.vector_load %arg8[%get3A] {strides = array<i32>} : memref<1024xf32, #tpu.memory_space<vmem>>, vector<16xf32>,
      %mul3A_586 = arith.constant 2.000000e+00 : f32
      %mul3A_587 = vector.broadcast %mul3A_586 : f32 to vector<16xf32>
      %mul3A_588 = arith.mulf %mul3A_587, %convert_element_type3A : vector<16xf32>
      %sub3A_589 = arith.constant 1.000000e+00 : f32
      %sub3A_590 = vector.broadcast %sub3A_589 : f32 to vector<16xf32>
      %sub3A_591 = arith.subf %sub3A_590, %mul3A_588 : vector<16xf32>
      %mul3A_592 = arith.mulf %get3A_585, %sub3A_591 : vector<16xf32>
      %add3A_593 = arith.addf %mul3A_592, %convert_element_type3A : vector<16xf32>
      %swap3A_594 = arith.index_cast %add3A_584 : i32 to index
      %swap3A_595 = tpu.vector_load %arg8[%swap3A_594] {strides = array<i32>} : memref<1024xf32, #tpu.memory_space<vmem>>, vector<16xf32>,
      tpu.vector_store %arg8[%swap3A_594], %add3A_593 {strides = array<i32>} : memref<1024xf32, #tpu.memory_space<vmem>>, vector<16xf32>,
      %scan3A_596 = arith.constant 0 : i32
      scf.yield %scan3A_596 : i32
    }
    %scan3A_424 = arith.constant 4 : i32
    %mul3A_425 = arith.constant 1024 : i32
    %mul3A_426 = arith.muli %add3A, %mul3A_425 : i32
    %add3A_427 = arith.constant 640 : i32
    %add3A_428 = arith.addi %mul3A_426, %add3A_427 : i32
    %dma_start3A_429 = arith.constant 640 : i32
    %dma_start3A_430 = tpu.memref_slice %arg8[%dma_start3A_429] : memref<1024xf32, #tpu.memory_space<vmem>> -> memref<128xf32, #tpu.memory_space<vmem>>
    %dma_start3A_431 = tpu.memref_slice %arg4[%add3A_428] : memref<32768xf32, #tpu.memory_space<hbm>> -> memref<128xf32, #tpu.memory_space<hbm>>
    %dma_start3A_432 = tpu.memref_slice %arg4[%add3A_428] : memref<32768xf32, #tpu.memory_space<hbm>> -> memref<128xf32, #tpu.memory_space<hbm>>
    %dma_start3A_433 = arith.constant 640 : i32
    %dma_start3A_434 = tpu.memref_slice %arg8[%dma_start3A_433] : memref<1024xf32, #tpu.memory_space<vmem>> -> memref<128xf32, #tpu.memory_space<vmem>>
    tpu.enqueue_dma source(%dma_start3A_434 : memref<128xf32, #tpu.memory_space<vmem>>) target(%dma_start3A_432 : memref<128xf32, #tpu.memory_space<hbm>>) target_semaphore(%arg17 : memref<!tpu.dma_semaphore, #tpu.memory_space<semaphore_mem>>)
    %dma_wait3A_435 = arith.constant 768 : i32
    %dma_wait3A_436 = tpu.memref_slice %arg8[%dma_wait3A_435] : memref<1024xf32, #tpu.memory_space<vmem>> -> memref<128xf32, #tpu.memory_space<vmem>>
    %dma_wait3A_437 = arith.constant 768 : i32
    %dma_wait3A_438 = tpu.memref_slice %arg7[%dma_wait3A_437] : memref<1024xi32, #tpu.memory_space<vmem>> -> memref<128xi32, #tpu.memory_space<vmem>>
    %dma_wait3A_439 = arith.constant 0 : i32
    %dma_wait3A_440 = tpu.memref_slice %arg3[%dma_wait3A_439] : memref<262144xf32, #tpu.memory_space<hbm>> -> memref<262144xf32, #tpu.memory_space<hbm>>
    tpu.wait_indirect_dma semaphore(%arg15 : memref<!tpu.dma_semaphore, #tpu.memory_space<semaphore_mem>>) src(%dma_wait3A_440 : memref<262144xf32, #tpu.memory_space<hbm>>) dst(%dma_wait3A_436 : memref<128xf32, #tpu.memory_space<vmem>>)
    %add3A_441 = arith.constant 12 : i32
    %add3A_442 = arith.addi %mul3A_2, %add3A_441 : i32
    %broadcast_in_dim3A_443 = vector.broadcast %add3A_442 : i32 to vector<16xi32>
    %scan3A_444 = arith.constant 0 : i32
    %scan3A_445 = arith.constant 0 : i32
    %scan3A_446 = arith.constant 4 : i32
    %scan3A_447 = arith.addi %scan3A_445, %scan3A_446 : i32
    %scan3A_448 = arith.constant 1 : i32
    %scan3A_449 = scf.for %scan3A_555 = %scan3A_445 to %scan3A_447 step %scan3A_448 iter_args(%scan3A_556 = %scan3A_444) -> (i32)  : i32 {
      %mul3A_557 = arith.constant 16 : i32
      %mul3A_558 = arith.muli %mul3A_557, %scan3A_555 : i32
      %add3A_559 = vector.broadcast %mul3A_558 : i32 to vector<16xi32>
      %add3A_560 = arith.addi %iota3A, %add3A_559 : vector<16xi32>
      %jit3A = arith.constant 10 : i32
      %eq3A = arith.constant 0 : i32
      %eq3A_561 = arith.cmpi eq, %jit3A, %eq3A : i32
      %jit3A_562 = arith.constant 1 : i32
      %select_n3A = arith.select %eq3A_561, %jit3A_562, %jit3A : i32
      %rem3A = vector.broadcast %select_n3A : i32 to vector<16xi32>
      %rem3A_563 = arith.remsi %add3A_560, %rem3A : vector<16xi32>
      %ne3A = arith.constant 0 : i32
      %ne3A_564 = vector.broadcast %ne3A : i32 to vector<16xi32>
      %ne3A_565 = arith.cmpi ne, %rem3A_563, %ne3A_564 : vector<16xi32>
      %lt3A = arith.constant 0 : i32
      %lt3A_566 = vector.broadcast %lt3A : i32 to vector<16xi32>
      %lt3A_567 = arith.cmpi slt, %rem3A_563, %lt3A_566 : vector<16xi32>
      %lt3A_568 = arith.constant 0 : i32
      %lt3A_569 = arith.cmpi slt, %select_n3A, %lt3A_568 : i32
      %ne3A_570 = vector.broadcast %lt3A_569 : i1 to vector<16xi1>
      %ne3A_571 = vector.broadcast %ne3A_570 : vector<16xi1> to vector<16xi1>
      %ne3A_572 = arith.xori %lt3A_567, %ne3A_571 : vector<16xi1>
      %and3A = arith.andi %ne3A_572, %ne3A_565 : vector<16xi1>
      %add3A_573 = vector.broadcast %select_n3A : i32 to vector<16xi32>
      %add3A_574 = arith.addi %rem3A_563, %add3A_573 : vector<16xi32>
      %select_n3A_575 = arith.select %and3A, %add3A_574, %rem3A_563 : vector<16xi1>, vector<16xi32>
      %sub3A = arith.constant 9 : i32
      %sub3A_576 = vector.broadcast %sub3A : i32 to vector<16xi32>
      %sub3A_577 = arith.subi %sub3A_576, %select_n3A_575 : vector<16xi32>
      %shift_right_arithmetic3A = arith.shrsi %broadcast_in_dim3A_443, %sub3A_577 : vector<16xi32>
      %and3A_578 = arith.constant 1 : i32
      %and3A_579 = vector.broadcast %and3A_578 : i32 to vector<16xi32>
      %and3A_580 = arith.andi %shift_right_arithmetic3A, %and3A_579 : vector<16xi32>
      %convert_element_type3A = arith.sitofp %and3A_580 : vector<16xi32> to vector<16xf32>
      %mul3A_581 = arith.constant 16 : i32
      %mul3A_582 = arith.muli %mul3A_581, %scan3A_555 : i32
      %add3A_583 = arith.constant 768 : i32
      %add3A_584 = arith.addi %add3A_583, %mul3A_582 : i32
      %get3A = arith.index_cast %add3A_584 : i32 to index
      %get3A_585 = tpu.vector_load %arg8[%get3A] {strides = array<i32>} : memref<1024xf32, #tpu.memory_space<vmem>>, vector<16xf32>,
      %mul3A_586 = arith.constant 2.000000e+00 : f32
      %mul3A_587 = vector.broadcast %mul3A_586 : f32 to vector<16xf32>
      %mul3A_588 = arith.mulf %mul3A_587, %convert_element_type3A : vector<16xf32>
      %sub3A_589 = arith.constant 1.000000e+00 : f32
      %sub3A_590 = vector.broadcast %sub3A_589 : f32 to vector<16xf32>
      %sub3A_591 = arith.subf %sub3A_590, %mul3A_588 : vector<16xf32>
      %mul3A_592 = arith.mulf %get3A_585, %sub3A_591 : vector<16xf32>
      %add3A_593 = arith.addf %mul3A_592, %convert_element_type3A : vector<16xf32>
      %swap3A_594 = arith.index_cast %add3A_584 : i32 to index
      %swap3A_595 = tpu.vector_load %arg8[%swap3A_594] {strides = array<i32>} : memref<1024xf32, #tpu.memory_space<vmem>>, vector<16xf32>,
      tpu.vector_store %arg8[%swap3A_594], %add3A_593 {strides = array<i32>} : memref<1024xf32, #tpu.memory_space<vmem>>, vector<16xf32>,
      %scan3A_596 = arith.constant 0 : i32
      scf.yield %scan3A_596 : i32
    }
    %scan3A_450 = arith.constant 4 : i32
    %add3A_451 = arith.constant 13 : i32
    %add3A_452 = arith.addi %mul3A_2, %add3A_451 : i32
    %broadcast_in_dim3A_453 = vector.broadcast %add3A_452 : i32 to vector<16xi32>
    %scan3A_454 = arith.constant 0 : i32
    %scan3A_455 = arith.constant 0 : i32
    %scan3A_456 = arith.constant 4 : i32
    %scan3A_457 = arith.addi %scan3A_455, %scan3A_456 : i32
    %scan3A_458 = arith.constant 1 : i32
    %scan3A_459 = scf.for %scan3A_555 = %scan3A_455 to %scan3A_457 step %scan3A_458 iter_args(%scan3A_556 = %scan3A_454) -> (i32)  : i32 {
      %mul3A_557 = arith.constant 16 : i32
      %mul3A_558 = arith.muli %mul3A_557, %scan3A_555 : i32
      %add3A_559 = vector.broadcast %mul3A_558 : i32 to vector<16xi32>
      %add3A_560 = arith.addi %iota3A, %add3A_559 : vector<16xi32>
      %jit3A = arith.constant 10 : i32
      %eq3A = arith.constant 0 : i32
      %eq3A_561 = arith.cmpi eq, %jit3A, %eq3A : i32
      %jit3A_562 = arith.constant 1 : i32
      %select_n3A = arith.select %eq3A_561, %jit3A_562, %jit3A : i32
      %rem3A = vector.broadcast %select_n3A : i32 to vector<16xi32>
      %rem3A_563 = arith.remsi %add3A_560, %rem3A : vector<16xi32>
      %ne3A = arith.constant 0 : i32
      %ne3A_564 = vector.broadcast %ne3A : i32 to vector<16xi32>
      %ne3A_565 = arith.cmpi ne, %rem3A_563, %ne3A_564 : vector<16xi32>
      %lt3A = arith.constant 0 : i32
      %lt3A_566 = vector.broadcast %lt3A : i32 to vector<16xi32>
      %lt3A_567 = arith.cmpi slt, %rem3A_563, %lt3A_566 : vector<16xi32>
      %lt3A_568 = arith.constant 0 : i32
      %lt3A_569 = arith.cmpi slt, %select_n3A, %lt3A_568 : i32
      %ne3A_570 = vector.broadcast %lt3A_569 : i1 to vector<16xi1>
      %ne3A_571 = vector.broadcast %ne3A_570 : vector<16xi1> to vector<16xi1>
      %ne3A_572 = arith.xori %lt3A_567, %ne3A_571 : vector<16xi1>
      %and3A = arith.andi %ne3A_572, %ne3A_565 : vector<16xi1>
      %add3A_573 = vector.broadcast %select_n3A : i32 to vector<16xi32>
      %add3A_574 = arith.addi %rem3A_563, %add3A_573 : vector<16xi32>
      %select_n3A_575 = arith.select %and3A, %add3A_574, %rem3A_563 : vector<16xi1>, vector<16xi32>
      %sub3A = arith.constant 9 : i32
      %sub3A_576 = vector.broadcast %sub3A : i32 to vector<16xi32>
      %sub3A_577 = arith.subi %sub3A_576, %select_n3A_575 : vector<16xi32>
      %shift_right_arithmetic3A = arith.shrsi %broadcast_in_dim3A_453, %sub3A_577 : vector<16xi32>
      %and3A_578 = arith.constant 1 : i32
      %and3A_579 = vector.broadcast %and3A_578 : i32 to vector<16xi32>
      %and3A_580 = arith.andi %shift_right_arithmetic3A, %and3A_579 : vector<16xi32>
      %convert_element_type3A = arith.sitofp %and3A_580 : vector<16xi32> to vector<16xf32>
      %mul3A_581 = arith.constant 16 : i32
      %mul3A_582 = arith.muli %mul3A_581, %scan3A_555 : i32
      %add3A_583 = arith.constant 832 : i32
      %add3A_584 = arith.addi %add3A_583, %mul3A_582 : i32
      %get3A = arith.index_cast %add3A_584 : i32 to index
      %get3A_585 = tpu.vector_load %arg8[%get3A] {strides = array<i32>} : memref<1024xf32, #tpu.memory_space<vmem>>, vector<16xf32>,
      %mul3A_586 = arith.constant 2.000000e+00 : f32
      %mul3A_587 = vector.broadcast %mul3A_586 : f32 to vector<16xf32>
      %mul3A_588 = arith.mulf %mul3A_587, %convert_element_type3A : vector<16xf32>
      %sub3A_589 = arith.constant 1.000000e+00 : f32
      %sub3A_590 = vector.broadcast %sub3A_589 : f32 to vector<16xf32>
      %sub3A_591 = arith.subf %sub3A_590, %mul3A_588 : vector<16xf32>
      %mul3A_592 = arith.mulf %get3A_585, %sub3A_591 : vector<16xf32>
      %add3A_593 = arith.addf %mul3A_592, %convert_element_type3A : vector<16xf32>
      %swap3A_594 = arith.index_cast %add3A_584 : i32 to index
      %swap3A_595 = tpu.vector_load %arg8[%swap3A_594] {strides = array<i32>} : memref<1024xf32, #tpu.memory_space<vmem>>, vector<16xf32>,
      tpu.vector_store %arg8[%swap3A_594], %add3A_593 {strides = array<i32>} : memref<1024xf32, #tpu.memory_space<vmem>>, vector<16xf32>,
      %scan3A_596 = arith.constant 0 : i32
      scf.yield %scan3A_596 : i32
    }
    %scan3A_460 = arith.constant 4 : i32
    %mul3A_461 = arith.constant 1024 : i32
    %mul3A_462 = arith.muli %add3A, %mul3A_461 : i32
    %add3A_463 = arith.constant 768 : i32
    %add3A_464 = arith.addi %mul3A_462, %add3A_463 : i32
    %dma_start3A_465 = arith.constant 768 : i32
    %dma_start3A_466 = tpu.memref_slice %arg8[%dma_start3A_465] : memref<1024xf32, #tpu.memory_space<vmem>> -> memref<128xf32, #tpu.memory_space<vmem>>
    %dma_start3A_467 = tpu.memref_slice %arg4[%add3A_464] : memref<32768xf32, #tpu.memory_space<hbm>> -> memref<128xf32, #tpu.memory_space<hbm>>
    %dma_start3A_468 = tpu.memref_slice %arg4[%add3A_464] : memref<32768xf32, #tpu.memory_space<hbm>> -> memref<128xf32, #tpu.memory_space<hbm>>
    %dma_start3A_469 = arith.constant 768 : i32
    %dma_start3A_470 = tpu.memref_slice %arg8[%dma_start3A_469] : memref<1024xf32, #tpu.memory_space<vmem>> -> memref<128xf32, #tpu.memory_space<vmem>>
    tpu.enqueue_dma source(%dma_start3A_470 : memref<128xf32, #tpu.memory_space<vmem>>) target(%dma_start3A_468 : memref<128xf32, #tpu.memory_space<hbm>>) target_semaphore(%arg17 : memref<!tpu.dma_semaphore, #tpu.memory_space<semaphore_mem>>)
    %dma_wait3A_471 = arith.constant 896 : i32
    %dma_wait3A_472 = tpu.memref_slice %arg8[%dma_wait3A_471] : memref<1024xf32, #tpu.memory_space<vmem>> -> memref<128xf32, #tpu.memory_space<vmem>>
    %dma_wait3A_473 = arith.constant 896 : i32
    %dma_wait3A_474 = tpu.memref_slice %arg7[%dma_wait3A_473] : memref<1024xi32, #tpu.memory_space<vmem>> -> memref<128xi32, #tpu.memory_space<vmem>>
    %dma_wait3A_475 = arith.constant 0 : i32
    %dma_wait3A_476 = tpu.memref_slice %arg3[%dma_wait3A_475] : memref<262144xf32, #tpu.memory_space<hbm>> -> memref<262144xf32, #tpu.memory_space<hbm>>
    tpu.wait_indirect_dma semaphore(%arg16 : memref<!tpu.dma_semaphore, #tpu.memory_space<semaphore_mem>>) src(%dma_wait3A_476 : memref<262144xf32, #tpu.memory_space<hbm>>) dst(%dma_wait3A_472 : memref<128xf32, #tpu.memory_space<vmem>>)
    %add3A_477 = arith.constant 14 : i32
    %add3A_478 = arith.addi %mul3A_2, %add3A_477 : i32
    %broadcast_in_dim3A_479 = vector.broadcast %add3A_478 : i32 to vector<16xi32>
    %scan3A_480 = arith.constant 0 : i32
    %scan3A_481 = arith.constant 0 : i32
    %scan3A_482 = arith.constant 4 : i32
    %scan3A_483 = arith.addi %scan3A_481, %scan3A_482 : i32
    %scan3A_484 = arith.constant 1 : i32
    %scan3A_485 = scf.for %scan3A_555 = %scan3A_481 to %scan3A_483 step %scan3A_484 iter_args(%scan3A_556 = %scan3A_480) -> (i32)  : i32 {
      %mul3A_557 = arith.constant 16 : i32
      %mul3A_558 = arith.muli %mul3A_557, %scan3A_555 : i32
      %add3A_559 = vector.broadcast %mul3A_558 : i32 to vector<16xi32>
      %add3A_560 = arith.addi %iota3A, %add3A_559 : vector<16xi32>
      %jit3A = arith.constant 10 : i32
      %eq3A = arith.constant 0 : i32
      %eq3A_561 = arith.cmpi eq, %jit3A, %eq3A : i32
      %jit3A_562 = arith.constant 1 : i32
      %select_n3A = arith.select %eq3A_561, %jit3A_562, %jit3A : i32
      %rem3A = vector.broadcast %select_n3A : i32 to vector<16xi32>
      %rem3A_563 = arith.remsi %add3A_560, %rem3A : vector<16xi32>
      %ne3A = arith.constant 0 : i32
      %ne3A_564 = vector.broadcast %ne3A : i32 to vector<16xi32>
      %ne3A_565 = arith.cmpi ne, %rem3A_563, %ne3A_564 : vector<16xi32>
      %lt3A = arith.constant 0 : i32
      %lt3A_566 = vector.broadcast %lt3A : i32 to vector<16xi32>
      %lt3A_567 = arith.cmpi slt, %rem3A_563, %lt3A_566 : vector<16xi32>
      %lt3A_568 = arith.constant 0 : i32
      %lt3A_569 = arith.cmpi slt, %select_n3A, %lt3A_568 : i32
      %ne3A_570 = vector.broadcast %lt3A_569 : i1 to vector<16xi1>
      %ne3A_571 = vector.broadcast %ne3A_570 : vector<16xi1> to vector<16xi1>
      %ne3A_572 = arith.xori %lt3A_567, %ne3A_571 : vector<16xi1>
      %and3A = arith.andi %ne3A_572, %ne3A_565 : vector<16xi1>
      %add3A_573 = vector.broadcast %select_n3A : i32 to vector<16xi32>
      %add3A_574 = arith.addi %rem3A_563, %add3A_573 : vector<16xi32>
      %select_n3A_575 = arith.select %and3A, %add3A_574, %rem3A_563 : vector<16xi1>, vector<16xi32>
      %sub3A = arith.constant 9 : i32
      %sub3A_576 = vector.broadcast %sub3A : i32 to vector<16xi32>
      %sub3A_577 = arith.subi %sub3A_576, %select_n3A_575 : vector<16xi32>
      %shift_right_arithmetic3A = arith.shrsi %broadcast_in_dim3A_479, %sub3A_577 : vector<16xi32>
      %and3A_578 = arith.constant 1 : i32
      %and3A_579 = vector.broadcast %and3A_578 : i32 to vector<16xi32>
      %and3A_580 = arith.andi %shift_right_arithmetic3A, %and3A_579 : vector<16xi32>
      %convert_element_type3A = arith.sitofp %and3A_580 : vector<16xi32> to vector<16xf32>
      %mul3A_581 = arith.constant 16 : i32
      %mul3A_582 = arith.muli %mul3A_581, %scan3A_555 : i32
      %add3A_583 = arith.constant 896 : i32
      %add3A_584 = arith.addi %add3A_583, %mul3A_582 : i32
      %get3A = arith.index_cast %add3A_584 : i32 to index
      %get3A_585 = tpu.vector_load %arg8[%get3A] {strides = array<i32>} : memref<1024xf32, #tpu.memory_space<vmem>>, vector<16xf32>,
      %mul3A_586 = arith.constant 2.000000e+00 : f32
      %mul3A_587 = vector.broadcast %mul3A_586 : f32 to vector<16xf32>
      %mul3A_588 = arith.mulf %mul3A_587, %convert_element_type3A : vector<16xf32>
      %sub3A_589 = arith.constant 1.000000e+00 : f32
      %sub3A_590 = vector.broadcast %sub3A_589 : f32 to vector<16xf32>
      %sub3A_591 = arith.subf %sub3A_590, %mul3A_588 : vector<16xf32>
      %mul3A_592 = arith.mulf %get3A_585, %sub3A_591 : vector<16xf32>
      %add3A_593 = arith.addf %mul3A_592, %convert_element_type3A : vector<16xf32>
      %swap3A_594 = arith.index_cast %add3A_584 : i32 to index
      %swap3A_595 = tpu.vector_load %arg8[%swap3A_594] {strides = array<i32>} : memref<1024xf32, #tpu.memory_space<vmem>>, vector<16xf32>,
      tpu.vector_store %arg8[%swap3A_594], %add3A_593 {strides = array<i32>} : memref<1024xf32, #tpu.memory_space<vmem>>, vector<16xf32>,
      %scan3A_596 = arith.constant 0 : i32
      scf.yield %scan3A_596 : i32
    }
    %scan3A_486 = arith.constant 4 : i32
    %add3A_487 = arith.constant 15 : i32
    %add3A_488 = arith.addi %mul3A_2, %add3A_487 : i32
    %broadcast_in_dim3A_489 = vector.broadcast %add3A_488 : i32 to vector<16xi32>
    %scan3A_490 = arith.constant 0 : i32
    %scan3A_491 = arith.constant 0 : i32
    %scan3A_492 = arith.constant 4 : i32
    %scan3A_493 = arith.addi %scan3A_491, %scan3A_492 : i32
    %scan3A_494 = arith.constant 1 : i32
    %scan3A_495 = scf.for %scan3A_555 = %scan3A_491 to %scan3A_493 step %scan3A_494 iter_args(%scan3A_556 = %scan3A_490) -> (i32)  : i32 {
      %mul3A_557 = arith.constant 16 : i32
      %mul3A_558 = arith.muli %mul3A_557, %scan3A_555 : i32
      %add3A_559 = vector.broadcast %mul3A_558 : i32 to vector<16xi32>
      %add3A_560 = arith.addi %iota3A, %add3A_559 : vector<16xi32>
      %jit3A = arith.constant 10 : i32
      %eq3A = arith.constant 0 : i32
      %eq3A_561 = arith.cmpi eq, %jit3A, %eq3A : i32
      %jit3A_562 = arith.constant 1 : i32
      %select_n3A = arith.select %eq3A_561, %jit3A_562, %jit3A : i32
      %rem3A = vector.broadcast %select_n3A : i32 to vector<16xi32>
      %rem3A_563 = arith.remsi %add3A_560, %rem3A : vector<16xi32>
      %ne3A = arith.constant 0 : i32
      %ne3A_564 = vector.broadcast %ne3A : i32 to vector<16xi32>
      %ne3A_565 = arith.cmpi ne, %rem3A_563, %ne3A_564 : vector<16xi32>
      %lt3A = arith.constant 0 : i32
      %lt3A_566 = vector.broadcast %lt3A : i32 to vector<16xi32>
      %lt3A_567 = arith.cmpi slt, %rem3A_563, %lt3A_566 : vector<16xi32>
      %lt3A_568 = arith.constant 0 : i32
      %lt3A_569 = arith.cmpi slt, %select_n3A, %lt3A_568 : i32
      %ne3A_570 = vector.broadcast %lt3A_569 : i1 to vector<16xi1>
      %ne3A_571 = vector.broadcast %ne3A_570 : vector<16xi1> to vector<16xi1>
      %ne3A_572 = arith.xori %lt3A_567, %ne3A_571 : vector<16xi1>
      %and3A = arith.andi %ne3A_572, %ne3A_565 : vector<16xi1>
      %add3A_573 = vector.broadcast %select_n3A : i32 to vector<16xi32>
      %add3A_574 = arith.addi %rem3A_563, %add3A_573 : vector<16xi32>
      %select_n3A_575 = arith.select %and3A, %add3A_574, %rem3A_563 : vector<16xi1>, vector<16xi32>
      %sub3A = arith.constant 9 : i32
      %sub3A_576 = vector.broadcast %sub3A : i32 to vector<16xi32>
      %sub3A_577 = arith.subi %sub3A_576, %select_n3A_575 : vector<16xi32>
      %shift_right_arithmetic3A = arith.shrsi %broadcast_in_dim3A_489, %sub3A_577 : vector<16xi32>
      %and3A_578 = arith.constant 1 : i32
      %and3A_579 = vector.broadcast %and3A_578 : i32 to vector<16xi32>
      %and3A_580 = arith.andi %shift_right_arithmetic3A, %and3A_579 : vector<16xi32>
      %convert_element_type3A = arith.sitofp %and3A_580 : vector<16xi32> to vector<16xf32>
      %mul3A_581 = arith.constant 16 : i32
      %mul3A_582 = arith.muli %mul3A_581, %scan3A_555 : i32
      %add3A_583 = arith.constant 960 : i32
      %add3A_584 = arith.addi %add3A_583, %mul3A_582 : i32
      %get3A = arith.index_cast %add3A_584 : i32 to index
      %get3A_585 = tpu.vector_load %arg8[%get3A] {strides = array<i32>} : memref<1024xf32, #tpu.memory_space<vmem>>, vector<16xf32>,
      %mul3A_586 = arith.constant 2.000000e+00 : f32
      %mul3A_587 = vector.broadcast %mul3A_586 : f32 to vector<16xf32>
      %mul3A_588 = arith.mulf %mul3A_587, %convert_element_type3A : vector<16xf32>
      %sub3A_589 = arith.constant 1.000000e+00 : f32
      %sub3A_590 = vector.broadcast %sub3A_589 : f32 to vector<16xf32>
      %sub3A_591 = arith.subf %sub3A_590, %mul3A_588 : vector<16xf32>
      %mul3A_592 = arith.mulf %get3A_585, %sub3A_591 : vector<16xf32>
      %add3A_593 = arith.addf %mul3A_592, %convert_element_type3A : vector<16xf32>
      %swap3A_594 = arith.index_cast %add3A_584 : i32 to index
      %swap3A_595 = tpu.vector_load %arg8[%swap3A_594] {strides = array<i32>} : memref<1024xf32, #tpu.memory_space<vmem>>, vector<16xf32>,
      tpu.vector_store %arg8[%swap3A_594], %add3A_593 {strides = array<i32>} : memref<1024xf32, #tpu.memory_space<vmem>>, vector<16xf32>,
      %scan3A_596 = arith.constant 0 : i32
      scf.yield %scan3A_596 : i32
    }
    %scan3A_496 = arith.constant 4 : i32
    %mul3A_497 = arith.constant 1024 : i32
    %mul3A_498 = arith.muli %add3A, %mul3A_497 : i32
    %add3A_499 = arith.constant 896 : i32
    %add3A_500 = arith.addi %mul3A_498, %add3A_499 : i32
    %dma_start3A_501 = arith.constant 896 : i32
    %dma_start3A_502 = tpu.memref_slice %arg8[%dma_start3A_501] : memref<1024xf32, #tpu.memory_space<vmem>> -> memref<128xf32, #tpu.memory_space<vmem>>
    %dma_start3A_503 = tpu.memref_slice %arg4[%add3A_500] : memref<32768xf32, #tpu.memory_space<hbm>> -> memref<128xf32, #tpu.memory_space<hbm>>
    %dma_start3A_504 = tpu.memref_slice %arg4[%add3A_500] : memref<32768xf32, #tpu.memory_space<hbm>> -> memref<128xf32, #tpu.memory_space<hbm>>
    %dma_start3A_505 = arith.constant 896 : i32
    %dma_start3A_506 = tpu.memref_slice %arg8[%dma_start3A_505] : memref<1024xf32, #tpu.memory_space<vmem>> -> memref<128xf32, #tpu.memory_space<vmem>>
    tpu.enqueue_dma source(%dma_start3A_506 : memref<128xf32, #tpu.memory_space<vmem>>) target(%dma_start3A_504 : memref<128xf32, #tpu.memory_space<hbm>>) target_semaphore(%arg17 : memref<!tpu.dma_semaphore, #tpu.memory_space<semaphore_mem>>)
    %dma_wait3A_507 = arith.constant 0 : i32
    %dma_wait3A_508 = tpu.memref_slice %arg8[%dma_wait3A_507] : memref<1024xf32, #tpu.memory_space<vmem>> -> memref<128xf32, #tpu.memory_space<vmem>>
    %dma_wait3A_509 = tpu.memref_slice %arg4[%add3A_248] : memref<32768xf32, #tpu.memory_space<hbm>> -> memref<128xf32, #tpu.memory_space<hbm>>
    %dma_wait3A_510 = tpu.memref_slice %arg4[%add3A_248] : memref<32768xf32, #tpu.memory_space<hbm>> -> memref<128xf32, #tpu.memory_space<hbm>>
    %dma_wait3A_511 = arith.constant 0 : i32
    %dma_wait3A_512 = tpu.memref_slice %arg8[%dma_wait3A_511] : memref<1024xf32, #tpu.memory_space<vmem>> -> memref<128xf32, #tpu.memory_space<vmem>>
    tpu.wait_dma2 semaphore(%arg17 : memref<!tpu.dma_semaphore, #tpu.memory_space<semaphore_mem>>) src(%dma_wait3A_512 : memref<128xf32, #tpu.memory_space<vmem>>) dst(%dma_wait3A_510 : memref<128xf32, #tpu.memory_space<hbm>>)
    %dma_wait3A_513 = arith.constant 128 : i32
    %dma_wait3A_514 = tpu.memref_slice %arg8[%dma_wait3A_513] : memref<1024xf32, #tpu.memory_space<vmem>> -> memref<128xf32, #tpu.memory_space<vmem>>
    %dma_wait3A_515 = tpu.memref_slice %arg4[%add3A_284] : memref<32768xf32, #tpu.memory_space<hbm>> -> memref<128xf32, #tpu.memory_space<hbm>>
    %dma_wait3A_516 = tpu.memref_slice %arg4[%add3A_284] : memref<32768xf32, #tpu.memory_space<hbm>> -> memref<128xf32, #tpu.memory_space<hbm>>
    %dma_wait3A_517 = arith.constant 128 : i32
    %dma_wait3A_518 = tpu.memref_slice %arg8[%dma_wait3A_517] : memref<1024xf32, #tpu.memory_space<vmem>> -> memref<128xf32, #tpu.memory_space<vmem>>
    tpu.wait_dma2 semaphore(%arg17 : memref<!tpu.dma_semaphore, #tpu.memory_space<semaphore_mem>>) src(%dma_wait3A_518 : memref<128xf32, #tpu.memory_space<vmem>>) dst(%dma_wait3A_516 : memref<128xf32, #tpu.memory_space<hbm>>)
    %dma_wait3A_519 = arith.constant 256 : i32
    %dma_wait3A_520 = tpu.memref_slice %arg8[%dma_wait3A_519] : memref<1024xf32, #tpu.memory_space<vmem>> -> memref<128xf32, #tpu.memory_space<vmem>>
    %dma_wait3A_521 = tpu.memref_slice %arg4[%add3A_320] : memref<32768xf32, #tpu.memory_space<hbm>> -> memref<128xf32, #tpu.memory_space<hbm>>
    %dma_wait3A_522 = tpu.memref_slice %arg4[%add3A_320] : memref<32768xf32, #tpu.memory_space<hbm>> -> memref<128xf32, #tpu.memory_space<hbm>>
    %dma_wait3A_523 = arith.constant 256 : i32
    %dma_wait3A_524 = tpu.memref_slice %arg8[%dma_wait3A_523] : memref<1024xf32, #tpu.memory_space<vmem>> -> memref<128xf32, #tpu.memory_space<vmem>>
    tpu.wait_dma2 semaphore(%arg17 : memref<!tpu.dma_semaphore, #tpu.memory_space<semaphore_mem>>) src(%dma_wait3A_524 : memref<128xf32, #tpu.memory_space<vmem>>) dst(%dma_wait3A_522 : memref<128xf32, #tpu.memory_space<hbm>>)
    %dma_wait3A_525 = arith.constant 384 : i32
    %dma_wait3A_526 = tpu.memref_slice %arg8[%dma_wait3A_525] : memref<1024xf32, #tpu.memory_space<vmem>> -> memref<128xf32, #tpu.memory_space<vmem>>
    %dma_wait3A_527 = tpu.memref_slice %arg4[%add3A_356] : memref<32768xf32, #tpu.memory_space<hbm>> -> memref<128xf32, #tpu.memory_space<hbm>>
    %dma_wait3A_528 = tpu.memref_slice %arg4[%add3A_356] : memref<32768xf32, #tpu.memory_space<hbm>> -> memref<128xf32, #tpu.memory_space<hbm>>
    %dma_wait3A_529 = arith.constant 384 : i32
    %dma_wait3A_530 = tpu.memref_slice %arg8[%dma_wait3A_529] : memref<1024xf32, #tpu.memory_space<vmem>> -> memref<128xf32, #tpu.memory_space<vmem>>
    tpu.wait_dma2 semaphore(%arg17 : memref<!tpu.dma_semaphore, #tpu.memory_space<semaphore_mem>>) src(%dma_wait3A_530 : memref<128xf32, #tpu.memory_space<vmem>>) dst(%dma_wait3A_528 : memref<128xf32, #tpu.memory_space<hbm>>)
    %dma_wait3A_531 = arith.constant 512 : i32
    %dma_wait3A_532 = tpu.memref_slice %arg8[%dma_wait3A_531] : memref<1024xf32, #tpu.memory_space<vmem>> -> memref<128xf32, #tpu.memory_space<vmem>>
    %dma_wait3A_533 = tpu.memref_slice %arg4[%add3A_392] : memref<32768xf32, #tpu.memory_space<hbm>> -> memref<128xf32, #tpu.memory_space<hbm>>
    %dma_wait3A_534 = tpu.memref_slice %arg4[%add3A_392] : memref<32768xf32, #tpu.memory_space<hbm>> -> memref<128xf32, #tpu.memory_space<hbm>>
    %dma_wait3A_535 = arith.constant 512 : i32
    %dma_wait3A_536 = tpu.memref_slice %arg8[%dma_wait3A_535] : memref<1024xf32, #tpu.memory_space<vmem>> -> memref<128xf32, #tpu.memory_space<vmem>>
    tpu.wait_dma2 semaphore(%arg17 : memref<!tpu.dma_semaphore, #tpu.memory_space<semaphore_mem>>) src(%dma_wait3A_536 : memref<128xf32, #tpu.memory_space<vmem>>) dst(%dma_wait3A_534 : memref<128xf32, #tpu.memory_space<hbm>>)
    %dma_wait3A_537 = arith.constant 640 : i32
    %dma_wait3A_538 = tpu.memref_slice %arg8[%dma_wait3A_537] : memref<1024xf32, #tpu.memory_space<vmem>> -> memref<128xf32, #tpu.memory_space<vmem>>
    %dma_wait3A_539 = tpu.memref_slice %arg4[%add3A_428] : memref<32768xf32, #tpu.memory_space<hbm>> -> memref<128xf32, #tpu.memory_space<hbm>>
    %dma_wait3A_540 = tpu.memref_slice %arg4[%add3A_428] : memref<32768xf32, #tpu.memory_space<hbm>> -> memref<128xf32, #tpu.memory_space<hbm>>
    %dma_wait3A_541 = arith.constant 640 : i32
    %dma_wait3A_542 = tpu.memref_slice %arg8[%dma_wait3A_541] : memref<1024xf32, #tpu.memory_space<vmem>> -> memref<128xf32, #tpu.memory_space<vmem>>
    tpu.wait_dma2 semaphore(%arg17 : memref<!tpu.dma_semaphore, #tpu.memory_space<semaphore_mem>>) src(%dma_wait3A_542 : memref<128xf32, #tpu.memory_space<vmem>>) dst(%dma_wait3A_540 : memref<128xf32, #tpu.memory_space<hbm>>)
    %dma_wait3A_543 = arith.constant 768 : i32
    %dma_wait3A_544 = tpu.memref_slice %arg8[%dma_wait3A_543] : memref<1024xf32, #tpu.memory_space<vmem>> -> memref<128xf32, #tpu.memory_space<vmem>>
    %dma_wait3A_545 = tpu.memref_slice %arg4[%add3A_464] : memref<32768xf32, #tpu.memory_space<hbm>> -> memref<128xf32, #tpu.memory_space<hbm>>
    %dma_wait3A_546 = tpu.memref_slice %arg4[%add3A_464] : memref<32768xf32, #tpu.memory_space<hbm>> -> memref<128xf32, #tpu.memory_space<hbm>>
    %dma_wait3A_547 = arith.constant 768 : i32
    %dma_wait3A_548 = tpu.memref_slice %arg8[%dma_wait3A_547] : memref<1024xf32, #tpu.memory_space<vmem>> -> memref<128xf32, #tpu.memory_space<vmem>>
    tpu.wait_dma2 semaphore(%arg17 : memref<!tpu.dma_semaphore, #tpu.memory_space<semaphore_mem>>) src(%dma_wait3A_548 : memref<128xf32, #tpu.memory_space<vmem>>) dst(%dma_wait3A_546 : memref<128xf32, #tpu.memory_space<hbm>>)
    %dma_wait3A_549 = arith.constant 896 : i32
    %dma_wait3A_550 = tpu.memref_slice %arg8[%dma_wait3A_549] : memref<1024xf32, #tpu.memory_space<vmem>> -> memref<128xf32, #tpu.memory_space<vmem>>
    %dma_wait3A_551 = tpu.memref_slice %arg4[%add3A_500] : memref<32768xf32, #tpu.memory_space<hbm>> -> memref<128xf32, #tpu.memory_space<hbm>>
    %dma_wait3A_552 = tpu.memref_slice %arg4[%add3A_500] : memref<32768xf32, #tpu.memory_space<hbm>> -> memref<128xf32, #tpu.memory_space<hbm>>
    %dma_wait3A_553 = arith.constant 896 : i32
    %dma_wait3A_554 = tpu.memref_slice %arg8[%dma_wait3A_553] : memref<1024xf32, #tpu.memory_space<vmem>> -> memref<128xf32, #tpu.memory_space<vmem>>
    tpu.wait_dma2 semaphore(%arg17 : memref<!tpu.dma_semaphore, #tpu.memory_space<semaphore_mem>>) src(%dma_wait3A_554 : memref<128xf32, #tpu.memory_space<vmem>>) dst(%dma_wait3A_552 : memref<128xf32, #tpu.memory_space<hbm>>)
    return
  }
}

</mosaic_0001>

<sc_bundles>
// kernel: kernel.3.cloned.1.call-start
scs
__scs_entry_jumppad:
0x0: {  	(pc) =	sbr.rel $0x88, $3  }
0x1: {  	(tag) =	ssettag $0x0;
	lr =	simm.s32 $0x1  }
0x2: {  	[smem:$0x3F9F] =	sst lr;
	_ =	strace $0xD0000000  }
0x3: {  	_ = 	snop  }
0x4: {  	_ = 	snop  }
0x5: {  	_ = 	snop  }
0x6: {  	_ = 	snop  }
0x7: {  	_ = 	snop  }
__scs_overlays_trampoline_lowered:
0x8: {  	[smem:$0x3FAE] =	sst s0  }
0x9: {  	[smem:$0x3FAF] =	sst s1  }
0xa: {  	[smem:$0x3FB0] =	sst s2  }
0xb: {  	[smem:$0x3FB1] =	sst s3  }
0xc: {  	[smem:$0x3FB2] =	sst s4  }
0xd: {  	[smem:$0x3FB3] =	sst s5  }
0xe: {  	[smem:$0x3FB4] =	sst s6  }
0xf: {  	[smem:$0x3FB5] =	sst s7  }
0x10: {  	[smem:$0x3FB6] =	sst s8  }
0x11: {  	[smem:$0x3FB7] =	sst s9;
	s0 =	simm.s32 @!p0 $0x0  }
0x12: {  	s1 =	sld [smem:$0x3F9D];
	s0 =	simm.s32 @p0 $0x1  }
0x13: {  	[smem:$0x3FB8] =	sst s0;
	s0 =	simm.s32 @!p1 $0x0  }
0x14: {  	s2 =	sld [smem:$0x3F9C];
	s0 =	simm.s32 @p1 $0x1  }
0x15: {  	[smem:$0x3FB9] =	sst s0;
	s0 =	simm.s32 @!p2 $0x0  }
0x16: {  	s3 =	sld [smem:$0x3FDB];
	s0 =	simm.s32 @p2 $0x1  }
0x17: {  	s4 =	simm.s32 $0x1BF5;
	[smem:$0x3FBB] =	sst s0  }
0x18: {  	s0 =	sld [smem:$0x3F9E];
	_ =	swait.ge [sflag:s4], $0x0  }
0x19: {  	s7 =	sld [smem:$0x3F9F]  }
0x1a: {  	s8 =	sadd.s32 $0xFFFFE003, lr  }
0x1b: {  	s9 =	sadd.s32 $0xFFFFFEF7, lr;
	s5 =	simm.s32 $0xFFFFFFFF;
	p2 =	slt.u32 s8, $0xFFFFF086  }
0x1c: {  	p1 =	slt.u32 s9, $0xF7A;
	s5 =	simm.s32 @!p2 $0x0  }
0x1d: {  	s5 =	simm.s32 @p1 $0x1;
	p0 =	seq.s32 s7, s2  }
0x1e: {  	s7 =	smul.u32 @!p0 $0xF7A, s2;
	p2 =	seq.s32 @!p0 s5, $0x0  }
0x1f: {  	s9 =	smul.u32 $0xF7A, s1;
	s8 =	simm.s32 @!p0 $0x1BF5;
	p2 =	por !p2, p0  }
0x20: {  	[sflag:s8] =	ssyncset.s32 @!p0 $0xFFFFF086;
	s6 =	sadd.s32 @!p0 s3, s7;
	s7 =	simm.s32 @!p0 $0x108  }
0x21: {  	s3 =	sadd.s32 s3, s9;
	s6 =	sadd.s32 @!p0 $0x88, s6;
	s7 =	simm.s32 @p2 $0x1082  }
0x22: {  	[simem:s7], [sflag:s8] =	dma.local @!p0 [hbm:s6], $0xF7A  }
0x23: {  	s9 =	sor.u32 $0xD0000000, s2;
	s6 =	simm.s32 $0x108;
	_ =	swait.ge @!p0 [sflag:s8], $0x0  }
0x24: {  	s3 =	sadd.s32 $0x88, s3;
	s6 =	simm.s32 @!p1 $0x1082;
	[sflag:s4] =	ssyncset.s32 $0xFFFFF086  }
0x25: {  	[simem:s6], [sflag:s4] =	dma.local [hbm:s3], $0xF7A  }
0x26: {  	[smem:$0x3F9F] =	sst s1;
	(tag) =	ssettag s2;
	_ =	strace s9  }
0x27: {  	s1 =	sld [smem:$0x3FAF]  }
0x28: {  	s2 =	sld [smem:$0x3FB0]  }
0x29: {  	s4 =	sld [smem:$0x3FB2]  }
0x2a: {  	p0 =	seq.s32 s5, $0x0;
	s5 =	sld [smem:$0x3FB3]  }
0x2b: {  	s6 =	sld [smem:$0x3FB4]  }
0x2c: {  	s7 =	sld [smem:$0x3FB5]  }
0x2d: {  	s3 =	simm.s32 $0x108;
	s8 =	sld [smem:$0x3FB6]  }
0x2e: {  	s3 =	simm.s32 @!p0 $0x1082;
	s9 =	sld [smem:$0x3FB7]  }
0x2f: {  	lr =	sadd.s32 s0, s3;
	s0 =	sld [smem:$0x3FAE]  }
0x30: {  	s3 =	sld [smem:$0x3FB1]  }
0x31: {  	[smem:$0x3FBA] =	sst s10  }
0x32: {  	s10 =	sld [smem:$0x3FB8];
	_ =	sdelay $0x3  }
0x33: {  	p0 =	seq.s32 s10, $0x1;
	s10 =	sld [smem:$0x3FBA];
	_ =	sdelay $0x3  }
0x34: {  	[smem:$0x3FBA] =	sst s10  }
0x35: {  	s10 =	sld [smem:$0x3FB9];
	_ =	sdelay $0x3  }
0x36: {  	p1 =	seq.s32 s10, $0x1;
	s10 =	sld [smem:$0x3FBA];
	_ =	sdelay $0x3  }
0x37: {  	[smem:$0x3FBA] =	sst s10  }
0x38: {  	s10 =	sld [smem:$0x3FBB]  }
0x39: {  	_ = 	snop;
	(pc) =	sbr.ind lr, $3  }
0x3a: {  	_ = 	snop  }
0x3b: {  	_ = 	snop  }
0x3c: {  	p2 =	seq.s32 s10, $0x1;
	s10 =	sld [smem:$0x3FBA]  }
0x3d: {  	_ =	shalt  }
0x3e: {  	_ =	shalt  }
0x3f: {  	_ =	shalt  }
0x40: {  	_ =	shalt  }
0x41: {  	_ =	shalt  }
0x42: {  	_ =	shalt  }
0x43: {  	_ =	shalt  }
0x44: {  	_ =	shalt  }
0x45: {  	_ =	shalt  }
0x46: {  	_ =	shalt  }
0x47: {  	_ =	shalt  }
0x48: {  	_ =	shalt  }
0x49: {  	_ =	shalt  }
0x4a: {  	_ =	shalt  }
0x4b: {  	_ =	shalt  }
0x4c: {  	_ =	shalt  }
0x4d: {  	_ =	shalt  }
0x4e: {  	_ =	shalt  }
0x4f: {  	_ =	shalt  }
0x50: {  	_ =	shalt  }
0x51: {  	_ =	shalt  }
0x52: {  	_ =	shalt  }
0x53: {  	_ =	shalt  }
0x54: {  	_ =	shalt  }
0x55: {  	_ =	shalt  }
0x56: {  	_ =	shalt  }
0x57: {  	_ =	shalt  }
0x58: {  	_ =	shalt  }
0x59: {  	_ =	shalt  }
0x5a: {  	_ =	shalt  }
0x5b: {  	_ =	shalt  }
0x5c: {  	_ =	shalt  }
0x5d: {  	_ =	shalt  }
0x5e: {  	_ =	shalt  }
0x5f: {  	_ =	shalt  }
0x60: {  	_ =	shalt  }
0x61: {  	_ =	shalt  }
0x62: {  	_ =	shalt  }
0x63: {  	_ =	shalt  }
0x64: {  	_ =	shalt  }
0x65: {  	_ =	shalt  }
0x66: {  	_ =	shalt  }
0x67: {  	_ =	shalt  }
0x68: {  	_ =	shalt  }
0x69: {  	_ =	shalt  }
0x6a: {  	_ =	shalt  }
0x6b: {  	_ =	shalt  }
0x6c: {  	_ =	shalt  }
0x6d: {  	_ =	shalt  }
0x6e: {  	_ =	shalt  }
0x6f: {  	_ =	shalt  }
0x70: {  	_ =	shalt  }
0x71: {  	_ =	shalt  }
0x72: {  	_ =	shalt  }
0x73: {  	_ =	shalt  }
0x74: {  	_ =	shalt  }
0x75: {  	_ =	shalt  }
0x76: {  	_ =	shalt  }
0x77: {  	_ =	shalt  }
0x78: {  	_ =	shalt  }
0x79: {  	_ =	shalt  }
0x7a: {  	_ =	shalt  }
0x7b: {  	_ =	shalt  }
0x7c: {  	_ =	shalt  }
0x7d: {  	_ =	shalt  }
0x7e: {  	_ =	shalt  }
0x7f: {  	_ =	shalt  }
0x80: {  	_ =	shalt  }
0x81: {  	_ =	shalt  }
0x82: {  	_ =	shalt  }
0x83: {  	_ =	shalt  }
0x84: {  	_ =	shalt  }
0x85: {  	_ =	shalt  }
0x86: {  	_ =	shalt  }
0x87: {  	_ =	shalt  }
.Lfunc_end0:
.L_simem_size_0:
called_computation_lowered:
.L_overlay_start_0:
0x88: {  	s2 =	sld [smem:$0x3FD9]  }
0x89: {  	s3 =	sld [smem:$0x3FFE];
	_ =	sdelay $0x1  }
0x8a: {  	s1 =	srdreg.scid  }
0x8b: {  	s0 =	sand.u32 $0x1, s1  }
0x8c: {  	s17 =	sshll.u32 s0, $0xA;
	s2 =	sadd.s32 s3, s2  }
0x8d: {  	s2 =	sadd.s32 s2, s17  }
0x8e: {  	[smem:$0x3FC6] =	sst s2  }
0x8f: {  	_ = 	snop  }
0x90: {  	s2 =	sld [smem:$0x3FD0];
	(tm) =	ssettm $0x1  }
0x91: {  	s18 =	sld [smem:$0x3FFB];
	_ =	sdelay $0x3  }
0x92: {  	_ =	strace s18  }
0x93: {  	s3 =	sld [smem:$0x3FFC];
	_ =	sdelay $0x3  }
0x94: {  	_ =	strace s3  }
0x95: {  	s3 =	sld [smem:$0x3FFD];
	_ =	sdelay $0x3  }
0x96: {  	_ =	strace s3  }
0x97: {  	_ =	strace $0x8FFFFFFF  }
0x98: {  	s19 =	sld [smem:$0x3FDB];
	_ =	sdelay $0x1  }
0x99: {  	s4 =	simm.s32 $_scs_section_size  }
0x9a: {  	s5 =	simm.s32 $_size__tile_overlayer_lowered;
	s6 =	simm.s32 $_tile_overlayer_lowered  }
0x9b: {  	s22 =	simm.s32 $0x1BFF;
	s21 =	sshll.u32 s6, $0x1;
	s3 =	sadd.s32 s4, s19  }
0x9c: {  	s7 =	simm.s32 $0x0;
	s20 =	sshll.u32 s5, $0x1;
	s5 =	sadd.s32 s21, s3  }
0x9d: {  	[timem:s7], [sflag:s22] =	dma.local [hbm:s5], s20  }
0x9e: {  	_ =	swait.ge [sflag:s22], s20  }
0x9f: {  	s4 =	ssub.s32 $0x0, s20;
	[sflag:s22] =	ssyncset.done $0x0  }
0xa0: {  	[sflag:s22] =	ssyncadd.s32 s4;
	_ =	sdelay $0x1  }
0xa1: {  	s23 =	simm.s32 $0x1B8B  }
0xa2: {  	_ =	swait.ge [sflag:s23], $0x1  }
0xa3: {  	[sflag:s23] =	ssyncset.done $0x0  }
0xa4: {  	s25 =	simm.s32 $0x1B8E;
	s24 =	sld [smem:$0x3FFE];
	[sflag:s23] =	ssyncadd.s32 $0xFFFFFFFF  }
0xa5: {  	s26 =	simm.s32 $execute0_lowered;
	[smem:$0x3FD2] =	sst s25  }
0xa6: {  	s5 =	sshll.u32 s26, $0x1;
	_ =	strace $0x80000046;
	[dreg:$0x1] =	wrdreg $0xFFFFFFFF  }
0xa7: {  	s28 =	simm.s32 $_size_execute0_lowered;
	s3 =	sadd.s32 s3, s5;
	[dreg:$0x0] =	wrdreg $0x0  }
0xa8: {  	s5 =	sshll.u32 s28, $0x1;
	[dreg:$0x2] =	wrdreg s3  }
0xa9: {  	[dreg:$0x3] =	wrdreg s5  }
0xaa: {  	[dreg:$0x4] =	wrdreg $0xC0  }
0xab: {  	_ =	task [dreg:s7], $0x5FFFF  }
0xac: {  	[dreg:$0x1] =	wrdreg $0xFFFFFFFF  }
0xad: {  	[dreg:$0x0] =	wrdreg $0x60  }
0xae: {  	[dreg:$0x2] =	wrdreg s24  }
0xaf: {  	[dreg:$0x3] =	wrdreg s2  }
0xb0: {  	[dreg:$0x4] =	wrdreg $0x9  }
0xb1: {  	_ =	task.clear_ibuf [dreg:s7], $0x5FFFF;
	_ =	strace $0x90000046  }
0xb2: {  	s29 =	simm.s32 $0x9;
	_ =	strace $0x80000048  }
0xb3: {  	_ =	swait.ge [sflag:s29], $0x1  }
0xb4: {  	[sflag:s29] =	ssyncadd.s32 $0xFFFFFFFF  }
0xb5: {  	_ =	strace $0x90000048  }
0xb6: {  	_ =	sfence  }
0xb7: {  	s30 =	sld [smem:$0x0];
	_ =	sdelay $0x2  }
0xb8: {  	s31 =	sshll.u32 s1, $0xD;
	s1 =	sshrl.u32 s1, $0x2  }
0xb9: {  	s3 =	sand.u32 $0x4000, s31;
	s1 =	sadd.s32 s1, s30  }
0xba: {  	s0 =	sor.u32 s3, s0;
	s1 =	sshll.u32 s1, $0x11  }
0xbb: {  	s0 =	sor.u32 s1, s0  }
0xbc: {  	s0 =	sadd.s32 $0x8F2B, s0  }
0xbd: {  	[sflag:s0] =	ssyncadd.remote.s32 $0x1  }
0xbe: {  	_ =	sfence.sel $0xFFFF  }
0xbf: {  	[dreg:$0x0] =	wrdreg $0xFFFFFFFF;
	(pc) =	sbr.abs _section_cstart, $3  }
0xc0: {  	[dreg:$0x1] =	wrdreg $0xFFFFFFFF  }
0xc1: {  	_ =	task.clear_ibuf [dreg:s7], $0x2FFFF;
	_ =	strace $0x9FFFFFFF  }
0xc2: {  	(tm) =	ssettm $0x7FFFFFFF  }
0xc3: {  	_ =	shalt  }
tec
execute0_lowered:
.L_overlay_start_1:
0x0: {  	(tag) =	ssettag $0x1  }
0x1: {  	s0 =	rddreg [dreg:$0x0];
	s1 =	srdreg.scid  }
0x2: {  	s2 =	stileid.u32;
	s4 =	rddreg [dreg:$0x1]  }
0x3: {  	s28 =	simm.s32 $0x800;
	s30 =	simm.s32 $0x880;
	s29 =	simm.s32 $0x7  }
0x4: {  	s1 =	sand.u32 $0x1, s1;
	s3 =	sshll.u32 s2, $0x1;
	s2 =	simm.s32 $0x0  }
0x5: {  	s31 =	simm.s32 $0x8;
	s6 =	sor.u32 s1, s3;
	[smem:$0x7FF] =	sst s2  }
0x6: {  	s1 =	ssub.s32 $0x2, s1;
	s3 =	smul.u32 $0x18, s6;
	_ =	strace $0x80000047  }
0x7: {  	s18 =	sshrl.u32 s1, $0x1;
	s19 =	sshll.u32 s6, $0x4;
	s7 =	sshll.u32 s6, $0x7  }
0x8: {  	s6 =	sshllo.u32 s6, $0x4;
	s8 =	sor.u32 $0x1, s19;
	s20 =	sor.u32 $0x2, s19  }
0x9: {  	s21 =	sor.u32 $0x3, s19;
	s11 =	sor.u32 $0x4, s19;
	s12 =	sor.u32 $0x5, s19  }
0xa: {  	s13 =	sor.u32 $0x6, s19;
	s14 =	sor.u32 $0x7, s19;
	s15 =	sor.u32 $0x8, s19  }
0xb: {  	v13 =	vlaneseq.u32;
	v19 =	vimm.s32 $0x10;
	s16 =	sor.u32 $0x9, s19;
	s24 =	sor.u32 $0xA, s19;
	s17 =	sor.u32 $0xB, s19  }
0xc: {  	v23 =	vimm.s32 $0x11;
	v24 =	vimm.s32 $0x12;
	v25 =	vimm.s32 $0x13;
	s25 =	sor.u32 $0xC, s19;
	s26 =	sor.u32 $0xD, s19;
	s5 =	sadd.s32 s3, s0  }
0xd: {  	v26 =	vimm.s32 $0x14;
	v27 =	vimm.s32 $0x15;
	v28 =	vimm.s32 $0x16;
	s3 =	sadd.s32 $0x800, s0;
	s0 =	ssub.s32 s1, s18;
	s1 =	sor.u32 $0xE, s19  }
0xe: {  	v7 =	vmov s14;
	v8 =	vmov s15;
	v9 =	vmov s16;
	s14 =	simm.s32 $0xA;
	s15 =	simm.s32 $0x100;
	s16 =	simm.s32 $0x80  }
0xf: {  	v0 =	vmov s19;
	v3 =	vmov s21;
	v12 =	vmov s25;
	s19 =	simm.s32 $0x600;
	s21 =	simm.s32 $0x680;
	s25 =	simm.s32 $0x780  }
0x10: {  	v29 =	vimm.s32 $0x17;
	v2 =	vmov s20;
	v10 =	vmov s24;
	s18 =	simm.s32 $0x2;
	s20 =	simm.s32 $0x3;
	s24 =	simm.s32 $0x5  }
0x11: {  	v30 =	vimm.s32 $0x18;
	v11 =	vmov s17;
	v14 =	vmov s26;
	s26 =	simm.s32 $0x6;
	s17 =	simm.s32 $0x9;
	s5 =	sadd.s32 $0x400, s5  }
0x12: {  	v31 =	vimm.s32 $0x19;
	v32 =	vimm.s32 $0x1A;
	v6 =	vmov s13;
	s13 =	smax.u32 s0, $0x1;
	[dreg:$0x3] =	wrdreg s5;
	s5 =	sadd.s32 s4, s7  }
0x13: {  	v33 =	vimm.s32 $0x1B;
	v16 =	vmul.u32 $0x1000, v13;
	v15 =	vmov s1;
	s1 =	simm.s32 $0x900;
	s0 =	simm.s32 $0x1;
	s9 =	sadd.s32 $0x10, s5  }
0x14: {  	v34 =	vimm.s32 $0x1C;
	v35 =	vimm.s32 $0x1D;
	v36 =	vimm.s32 $0x1E;
	s4 =	simm.s32 $0x0;
	s22 =	sadd.s32 $0x20, s5;
	[dreg:$0x4] =	wrdreg s9  }
0x15: {  	v37 =	vimm.s32 $0x1F;
	v18 =	vmul.u32 $0xC, v13;
	v20 =	vor.u32 $0x10000, v16;
	s23 =	sadd.s32 $0x30, s5;
	s10 =	sadd.s32 $0x50, s5;
	[dreg:$0x5] =	wrdreg s22  }
0x16: {  	v21 =	vor.u32 $0x20000, v16;
	v4 =	vmov s11;
	v5 =	vmov s12;
	s11 =	sadd.s32 $0x60, s5;
	s12 =	sadd.s32 $0x70, s5;
	[dreg:$0x6] =	wrdreg s23  }
0x17: {  	v22 =	vor.u32 $0x30000, v16;
	v17 =	vmov s6;
	v1 =	vmov s8;
	s9 =	sadd.s32 $0x40, s5;
	s23 =	simm.s32 $0x700;
	s22 =	simm.s32 $0x4  }
.LBB2_1:
0x18: {  	v39 =	vadd.s32 s2, v18;
	s6 =	rddreg [dreg:$0x3]  }
0x19: {  	[tilespmem:s2], [sflag:$0xA] =	stream.linear.gather [hbm4b:s6+s2], $0xC0, $0x38;
	[tilespmem:$0x980] =	vst v63  }
0x1a: {  	_ =	swait.ge [sflag:s14], $0xC0  }
0x1b: {  	[sflag:s14] =	ssyncset.done $0x0  }
0x1c: {  	[sflag:s14] =	ssyncadd.s32 $0xFFFFFF40  }
0x1d: {  	v38 =	vimm.s32 $0x0;
	s6 =	simm.s32 $0x1;
	v39 =	vld.idx.msk [tilespmem:v39+s2+$0x0], $0xffff  }
.LBB2_2:
0x1e: {  	v40 =	vadd.s32 s6, v18;
	p0 =	sne.s32 s6, $0xB;
	s6 =	sadd.s32 $0x1, s6  }
.Ltmp0:
0x1f: {  	(pc) =	sbr.rel @p0 .LBB2_2-.Ltmp0, $3  }
0x20: {  	_ =	sdelay $0x1  }
0x21: {  	v38 =	vshll.u32 v38, $0x1  }
0x22: {  	v38 =	vadd.s32 v38, v39;
	v39 =	vld.idx.msk [tilespmem:v40+s2+$0x0], $0xffff  }
0x23: {  	_ =	sdelay $0x2  }
0x24: {  	v38 =	vshll.u32 v38, $0x1  }
0x25: {  	v38 =	vadd.s32 v38, v39  }
0x26: {  	[tilespmem:$0x100] =	vst v38  }
0x27: {  	[tilespmem:$0x110] =	vst v38  }
0x28: {  	v38 =	vld.idx.msk [tilespmem:v19+s15+$0x0], $0xffff;
	_ =	sdelay $0x4  }
0x29: {  	v58 =	vadd.s32 v16, v38  }
0x2a: {  	v59 =	vadd.s32 v20, v38;
	[tilespmem:$0x180] =	vst v58  }
0x2b: {  	v60 =	vadd.s32 v21, v38;
	[tilespmem:$0x190] =	vst v59  }
0x2c: {  	v38 =	vadd.s32 v22, v38;
	[tilespmem:$0x1A0] =	vst v60  }
0x2d: {  	[tilespmem:$0x1B0] =	vst v38  }
0x2e: {  	v38 =	vld.idx.msk [tilespmem:v23+s15+$0x0], $0xffff;
	_ =	sdelay $0x4  }
0x2f: {  	v61 =	vadd.s32 v16, v38  }
0x30: {  	v62 =	vadd.s32 v20, v38;
	[tilespmem:$0x1C0] =	vst v61  }
0x31: {  	v63 =	vadd.s32 v21, v38;
	[tilespmem:$0x1D0] =	vst v62  }
0x32: {  	v38 =	vadd.s32 v22, v38;
	[tilespmem:$0x1E0] =	vst v63  }
0x33: {  	s6 =	simm.s32 $0x580;
	s7 =	simm.s32 $0x180;
	[tilespmem:$0x1F0] =	vst v38  }
0x34: {  	[tilespmem:s6], [sflag:$0x1] =	stream.indirect.gather [hbm4b:s3+s16], $0x1, s7, s16, $0xb8;
	[tilespmem:$0x980] =	vst v63  }
0x35: {  	v38 =	vld.idx.msk [tilespmem:v24+s15+$0x0], $0xffff;
	_ =	sdelay $0x4  }
0x36: {  	v42 =	vadd.s32 v16, v38  }
0x37: {  	v43 =	vadd.s32 v20, v38;
	[tilespmem:$0x200] =	vst v42  }
0x38: {  	v44 =	vadd.s32 v21, v38;
	[tilespmem:$0x210] =	vst v43  }
0x39: {  	v38 =	vadd.s32 v22, v38;
	[tilespmem:$0x220] =	vst v44  }
0x3a: {  	[tilespmem:$0x230] =	vst v38  }
0x3b: {  	v38 =	vld.idx.msk [tilespmem:v25+s15+$0x0], $0xffff;
	_ =	sdelay $0x4  }
0x3c: {  	v45 =	vadd.s32 v16, v38  }
0x3d: {  	v46 =	vadd.s32 v20, v38;
	[tilespmem:$0x240] =	vst v45  }
0x3e: {  	v47 =	vadd.s32 v21, v38;
	[tilespmem:$0x250] =	vst v46  }
0x3f: {  	v38 =	vadd.s32 v22, v38;
	[tilespmem:$0x260] =	vst v47  }
0x40: {  	s8 =	simm.s32 $0x200;
	[tilespmem:$0x270] =	vst v38  }
0x41: {  	[tilespmem:s19], [sflag:$0x2] =	stream.indirect.gather [hbm4b:s3+s16], $0x1, s8, s16, $0xb8;
	[tilespmem:$0x980] =	vst v63  }
0x42: {  	v38 =	vld.idx.msk [tilespmem:v26+s15+$0x0], $0xffff;
	_ =	sdelay $0x4  }
0x43: {  	v48 =	vadd.s32 v16, v38  }
0x44: {  	v49 =	vadd.s32 v20, v38;
	[tilespmem:$0x280] =	vst v48  }
0x45: {  	v50 =	vadd.s32 v21, v38;
	[tilespmem:$0x290] =	vst v49  }
0x46: {  	v38 =	vadd.s32 v22, v38;
	[tilespmem:$0x2A0] =	vst v50  }
0x47: {  	[tilespmem:$0x2B0] =	vst v38  }
0x48: {  	v38 =	vld.idx.msk [tilespmem:v27+s15+$0x0], $0xffff;
	_ =	sdelay $0x4  }
0x49: {  	v51 =	vadd.s32 v16, v38  }
0x4a: {  	v52 =	vadd.s32 v20, v38;
	[tilespmem:$0x2C0] =	vst v51  }
0x4b: {  	v53 =	vadd.s32 v21, v38;
	[tilespmem:$0x2D0] =	vst v52  }
0x4c: {  	v38 =	vadd.s32 v22, v38;
	[tilespmem:$0x2E0] =	vst v53  }
0x4d: {  	s8 =	simm.s32 $0x280;
	[tilespmem:$0x2F0] =	vst v38  }
0x4e: {  	[tilespmem:s21], [sflag:$0x3] =	stream.indirect.gather [hbm4b:s3+s16], $0x1, s8, s16, $0xb8;
	[tilespmem:$0x980] =	vst v63  }
0x4f: {  	v38 =	vld.idx.msk [tilespmem:v28+s15+$0x0], $0xffff;
	_ =	sdelay $0x4  }
0x50: {  	v54 =	vadd.s32 v16, v38  }
0x51: {  	v55 =	vadd.s32 v20, v38;
	[tilespmem:$0x300] =	vst v54  }
0x52: {  	v56 =	vadd.s32 v21, v38;
	[tilespmem:$0x310] =	vst v55  }
0x53: {  	v38 =	vadd.s32 v22, v38;
	[tilespmem:$0x320] =	vst v56  }
0x54: {  	[tilespmem:$0x330] =	vst v38  }
0x55: {  	v38 =	vld.idx.msk [tilespmem:v29+s15+$0x0], $0xffff;
	_ =	sdelay $0x4  }
0x56: {  	v57 =	vadd.s32 v16, v38  }
0x57: {  	v58 =	vadd.s32 v20, v38;
	[tilespmem:$0x340] =	vst v57  }
0x58: {  	v59 =	vadd.s32 v21, v38;
	[tilespmem:$0x350] =	vst v58  }
0x59: {  	v38 =	vadd.s32 v22, v38;
	[tilespmem:$0x360] =	vst v59  }
0x5a: {  	s8 =	simm.s32 $0x300;
	[tilespmem:$0x370] =	vst v38  }
0x5b: {  	[tilespmem:s23], [sflag:$0x4] =	stream.indirect.gather [hbm4b:s3+s16], $0x1, s8, s16, $0xb8;
	[tilespmem:$0x980] =	vst v63  }
0x5c: {  	v38 =	vld.idx.msk [tilespmem:v30+s15+$0x0], $0xffff;
	_ =	sdelay $0x4  }
0x5d: {  	v60 =	vadd.s32 v16, v38  }
0x5e: {  	v61 =	vadd.s32 v20, v38;
	[tilespmem:$0x380] =	vst v60  }
0x5f: {  	v62 =	vadd.s32 v21, v38;
	[tilespmem:$0x390] =	vst v61  }
0x60: {  	v38 =	vadd.s32 v22, v38;
	[tilespmem:$0x3A0] =	vst v62  }
0x61: {  	[tilespmem:$0x3B0] =	vst v38  }
0x62: {  	v38 =	vld.idx.msk [tilespmem:v31+s15+$0x0], $0xffff;
	_ =	sdelay $0x4  }
0x63: {  	v63 =	vadd.s32 v16, v38  }
0x64: {  	v42 =	vadd.s32 v20, v38;
	[tilespmem:$0x3C0] =	vst v63  }
0x65: {  	v43 =	vadd.s32 v21, v38;
	[tilespmem:$0x3D0] =	vst v42  }
0x66: {  	v38 =	vadd.s32 v22, v38;
	[tilespmem:$0x3E0] =	vst v43  }
0x67: {  	s8 =	simm.s32 $0x380;
	[tilespmem:$0x3F0] =	vst v38  }
0x68: {  	[tilespmem:s25], [sflag:$0x5] =	stream.indirect.gather [hbm4b:s3+s16], $0x1, s8, s16, $0xb8;
	[tilespmem:$0x980] =	vst v63  }
0x69: {  	v38 =	vld.idx.msk [tilespmem:v32+s15+$0x0], $0xffff;
	_ =	sdelay $0x4  }
0x6a: {  	v44 =	vadd.s32 v16, v38  }
0x6b: {  	v45 =	vadd.s32 v20, v38;
	[tilespmem:$0x400] =	vst v44  }
0x6c: {  	v46 =	vadd.s32 v21, v38;
	[tilespmem:$0x410] =	vst v45  }
0x6d: {  	v38 =	vadd.s32 v22, v38;
	[tilespmem:$0x420] =	vst v46  }
0x6e: {  	[tilespmem:$0x430] =	vst v38  }
0x6f: {  	v38 =	vld.idx.msk [tilespmem:v33+s15+$0x0], $0xffff;
	_ =	sdelay $0x4  }
0x70: {  	v47 =	vadd.s32 v16, v38  }
0x71: {  	v48 =	vadd.s32 v20, v38;
	[tilespmem:$0x440] =	vst v47  }
0x72: {  	v49 =	vadd.s32 v21, v38;
	[tilespmem:$0x450] =	vst v48  }
0x73: {  	v38 =	vadd.s32 v22, v38;
	[tilespmem:$0x460] =	vst v49  }
0x74: {  	s8 =	simm.s32 $0x400;
	[tilespmem:$0x470] =	vst v38  }
0x75: {  	[tilespmem:s28], [sflag:$0x6] =	stream.indirect.gather [hbm4b:s3+s16], $0x1, s8, s16, $0xb8;
	[tilespmem:$0x980] =	vst v63  }
0x76: {  	v38 =	vld.idx.msk [tilespmem:v34+s15+$0x0], $0xffff;
	_ =	sdelay $0x4  }
0x77: {  	v50 =	vadd.s32 v16, v38  }
0x78: {  	v51 =	vadd.s32 v20, v38;
	[tilespmem:$0x480] =	vst v50  }
0x79: {  	v52 =	vadd.s32 v21, v38;
	[tilespmem:$0x490] =	vst v51  }
0x7a: {  	v38 =	vadd.s32 v22, v38;
	[tilespmem:$0x4A0] =	vst v52  }
0x7b: {  	[tilespmem:$0x4B0] =	vst v38  }
0x7c: {  	v38 =	vld.idx.msk [tilespmem:v35+s15+$0x0], $0xffff;
	_ =	sdelay $0x4  }
0x7d: {  	v53 =	vadd.s32 v16, v38  }
0x7e: {  	v54 =	vadd.s32 v20, v38;
	[tilespmem:$0x4C0] =	vst v53  }
0x7f: {  	v55 =	vadd.s32 v21, v38;
	[tilespmem:$0x4D0] =	vst v54  }
0x80: {  	v38 =	vadd.s32 v22, v38;
	[tilespmem:$0x4E0] =	vst v55  }
0x81: {  	s8 =	simm.s32 $0x480;
	[tilespmem:$0x4F0] =	vst v38  }
0x82: {  	[tilespmem:s30], [sflag:$0x7] =	stream.indirect.gather [hbm4b:s3+s16], $0x1, s8, s16, $0xb8;
	[tilespmem:$0x980] =	vst v63  }
0x83: {  	v38 =	vld.idx.msk [tilespmem:v36+s15+$0x0], $0xffff;
	_ =	sdelay $0x4  }
0x84: {  	v56 =	vadd.s32 v16, v38  }
0x85: {  	v57 =	vadd.s32 v20, v38;
	[tilespmem:$0x500] =	vst v56  }
0x86: {  	v58 =	vadd.s32 v21, v38;
	[tilespmem:$0x510] =	vst v57  }
0x87: {  	v38 =	vadd.s32 v22, v38;
	[tilespmem:$0x520] =	vst v58  }
0x88: {  	[tilespmem:$0x530] =	vst v38  }
0x89: {  	v38 =	vld.idx.msk [tilespmem:v37+s15+$0x0], $0xffff;
	_ =	sdelay $0x1  }
0x8a: {  	s8 =	simm.s32 $0x0  }
0x8b: {  	v59 =	vor.u32 s8, v13  }
0x8c: {  	v40 =	vmulhi.u32 $0xCCCCCCCD, v59  }
0x8d: {  	v41 =	vadd.s32 v16, v38  }
0x8e: {  	v40 =	vshrl.u32 v40, $0x3;
	v60 =	vadd.s32 v20, v38;
	[tilespmem:$0x540] =	vst v41  }
0x8f: {  	v40 =	vmul.u32 $0xA, v40;
	v61 =	vadd.s32 v21, v38;
	[tilespmem:$0x550] =	vst v60  }
0x90: {  	v38 =	vadd.s32 v22, v38;
	[tilespmem:$0x560] =	vst v61  }
0x91: {  	s8 =	simm.s32 $0x500;
	v62 =	vsub.s32 v40, v59;
	[tilespmem:$0x570] =	vst v38  }
0x92: {  	v38 =	vadd.s32 $0x9, v62;
	[tilespmem:s1], [sflag:$0x8] =	stream.indirect.gather [hbm4b:s3+s16], $0x1, s8, s16, $0xb8;
	[tilespmem:$0x980] =	vst v63  }
0x93: {  	v63 =	vshrl.u32 v0, v38;
	_ =	swait.ge [sflag:s0], $0x80  }
0x94: {  	s7 =	simm.s32 $0x10;
	v39 =	vand.u32 $0x1, v63;
	[sflag:s0] =	ssyncset.done $0x0  }
0x95: {  	v40 =	vor.u32 s7, v13;
	s8 =	simm.s32 $0x20;
	v39 =	vcvt.s32.f32 v39;
	[sflag:s0] =	ssyncadd.s32 $0xFFFFFF80  }
.LBB2_4:
0x96: {  	p0 =	sne.s32 s8, $0x30;
	v41 =	vmulhi.u32 $0xCCCCCCCD, v40;
	v42 =	vld [tilespmem:s6+$0x0]  }
0x97: {  	v43 =	vadd.f32 v39, v39  }
0x98: {  	v41 =	vshrl.u32 v41, $0x3  }
0x99: {  	v41 =	vmul.u32 $0xA, v41;
	v43 =	vsub.f32 $1.000000000e+00, v43;
	_ =	sdelay $0x1  }
.Ltmp1:
0x9a: {  	v40 =	vsub.s32 v41, v40;
	v41 =	vmul.f32 v42, v43;
	(pc) =	sbr.rel @p0 .LBB2_4-.Ltmp1, $4  }
0x9b: {  	v40 =	vadd.s32 $0x9, v40  }
0x9c: {  	v40 =	vshrl.u32 v0, v40;
	v41 =	vadd.f32 v39, v41  }
0x9d: {  	v39 =	vand.u32 $0x1, v40  }
0x9e: {  	v40 =	vor.u32 s8, v13;
	s8 =	sadd.s32 $0x10, s8;
	v39 =	vcvt.s32.f32 v39;
	[tilespmem:s6+$0x0] =	vst v41;
	s6 =	sadd.s32 $0x10, s6  }
0x9f: {  	v41 =	vmulhi.u32 $0xCCCCCCCD, v40;
	v42 =	vld [tilespmem:s6+$0x0]  }
0xa0: {  	v43 =	vadd.f32 v39, v39  }
0xa1: {  	v41 =	vshrl.u32 v41, $0x3  }
0xa2: {  	v41 =	vmul.u32 $0xA, v41;
	v43 =	vsub.f32 $1.000000000e+00, v43;
	_ =	sdelay $0x1  }
0xa3: {  	v60 =	vsub.s32 v41, v40;
	v61 =	vmul.f32 v42, v43  }
0xa4: {  	v40 =	vadd.s32 $0x9, v60  }
0xa5: {  	v40 =	vshrl.u32 v0, v40;
	v62 =	vadd.f32 v39, v61  }
0xa6: {  	v40 =	vand.u32 $0x1, v40  }
0xa7: {  	s8 =	sadd.s32 $0x10, s6;
	v40 =	vcvt.s32.f32 v40;
	[tilespmem:s6+$0x0] =	vst v62  }
0xa8: {  	v39 =	vld [tilespmem:s8+$0x0]  }
0xa9: {  	v63 =	vadd.f32 v40, v40;
	_ =	sdelay $0x1  }
0xaa: {  	v41 =	vsub.f32 $1.000000000e+00, v63;
	_ =	sdelay $0x1  }
0xab: {  	v39 =	vmul.f32 v39, v41;
	_ =	sdelay $0x1  }
0xac: {  	v38 =	vshrl.u32 v1, v38;
	v39 =	vadd.f32 v40, v39  }
0xad: {  	v38 =	vand.u32 $0x1, v38  }
0xae: {  	v38 =	vcvt.s32.f32 v38;
	s6 =	simm.s32 $0x5C0;
	[tilespmem:s8+$0x0] =	vst v39;
	v39 =	vor.u32 s7, v13;
	s7 =	simm.s32 $0x20  }
.LBB2_6:
0xaf: {  	p0 =	sne.s32 s7, $0x30;
	v40 =	vmulhi.u32 $0xCCCCCCCD, v39;
	v41 =	vld [tilespmem:s6+$0x0]  }
0xb0: {  	v42 =	vadd.f32 v38, v38  }
0xb1: {  	v40 =	vshrl.u32 v40, $0x3  }
0xb2: {  	v40 =	vmul.u32 $0xA, v40;
	v42 =	vsub.f32 $1.000000000e+00, v42;
	_ =	sdelay $0x1  }
.Ltmp2:
0xb3: {  	v39 =	vsub.s32 v40, v39;
	v40 =	vmul.f32 v41, v42;
	(pc) =	sbr.rel @p0 .LBB2_6-.Ltmp2, $4  }
0xb4: {  	v39 =	vadd.s32 $0x9, v39  }
0xb5: {  	v39 =	vshrl.u32 v1, v39;
	v40 =	vadd.f32 v38, v40  }
0xb6: {  	v38 =	vand.u32 $0x1, v39  }
0xb7: {  	v39 =	vor.u32 s7, v13;
	s7 =	sadd.s32 $0x10, s7;
	v38 =	vcvt.s32.f32 v38;
	[tilespmem:s6+$0x0] =	vst v40;
	s6 =	sadd.s32 $0x10, s6  }
0xb8: {  	v40 =	vmulhi.u32 $0xCCCCCCCD, v39;
	v41 =	vld [tilespmem:s6+$0x0]  }
0xb9: {  	v42 =	vadd.f32 v38, v38  }
0xba: {  	v40 =	vshrl.u32 v40, $0x3  }
0xbb: {  	v40 =	vmul.u32 $0xA, v40;
	v42 =	vsub.f32 $1.000000000e+00, v42;
	_ =	sdelay $0x1  }
0xbc: {  	v54 =	vsub.s32 v40, v39;
	v55 =	vmul.f32 v41, v42  }
0xbd: {  	v39 =	vadd.s32 $0x9, v54  }
0xbe: {  	v39 =	vshrl.u32 v1, v39;
	v56 =	vadd.f32 v38, v55  }
0xbf: {  	v39 =	vand.u32 $0x1, v39  }
0xc0: {  	s8 =	sadd.s32 $0x10, s6;
	v39 =	vcvt.s32.f32 v39;
	[tilespmem:s6+$0x0] =	vst v56  }
0xc1: {  	v38 =	vld [tilespmem:s8+$0x0]  }
0xc2: {  	v57 =	vadd.f32 v39, v39  }
0xc3: {  	s7 =	simm.s32 $0x0  }
0xc4: {  	v58 =	vor.u32 s7, v13;
	v40 =	vsub.f32 $1.000000000e+00, v57  }
0xc5: {  	v59 =	vmulhi.u32 $0xCCCCCCCD, v58  }
0xc6: {  	v38 =	vmul.f32 v38, v40  }
0xc7: {  	v60 =	vshrl.u32 v59, $0x3  }
0xc8: {  	v61 =	vmul.u32 $0xA, v60;
	v38 =	vadd.f32 v39, v38;
	_ =	sdelay $0x1  }
0xc9: {  	v62 =	vsub.s32 v61, v58;
	[tilespmem:s8+$0x0] =	vst v38;
	s8 =	simm.s32 $0x580  }
0xca: {  	v38 =	vadd.s32 $0x9, v62;
	[hbm4b:s5+s7] =	stream.linear.scatter [tilespmem:s8], [sflag:$0x9], $0x80, $0x38;
	[tilespmem:$0x980] =	vst v63  }
0xcb: {  	v63 =	vshrl.u32 v2, v38;
	_ =	swait.ge [sflag:s18], $0x80  }
0xcc: {  	s6 =	simm.s32 $0x10;
	v39 =	vand.u32 $0x1, v63;
	[sflag:s18] =	ssyncset.done $0x0  }
0xcd: {  	v40 =	vor.u32 s6, v13;
	s7 =	simm.s32 $0x600;
	s8 =	simm.s32 $0x20;
	v39 =	vcvt.s32.f32 v39;
	[sflag:s18] =	ssyncadd.s32 $0xFFFFFF80  }
.LBB2_8:
0xce: {  	p0 =	sne.s32 s8, $0x30;
	v41 =	vmulhi.u32 $0xCCCCCCCD, v40;
	v42 =	vld [tilespmem:s7+$0x0]  }
0xcf: {  	v43 =	vadd.f32 v39, v39  }
0xd0: {  	v41 =	vshrl.u32 v41, $0x3  }
0xd1: {  	v41 =	vmul.u32 $0xA, v41;
	v43 =	vsub.f32 $1.000000000e+00, v43;
	_ =	sdelay $0x1  }
.Ltmp3:
0xd2: {  	v40 =	vsub.s32 v41, v40;
	v41 =	vmul.f32 v42, v43;
	(pc) =	sbr.rel @p0 .LBB2_8-.Ltmp3, $4  }
0xd3: {  	v40 =	vadd.s32 $0x9, v40  }
0xd4: {  	v40 =	vshrl.u32 v2, v40;
	v41 =	vadd.f32 v39, v41  }
0xd5: {  	v39 =	vand.u32 $0x1, v40  }
0xd6: {  	v40 =	vor.u32 s8, v13;
	s8 =	sadd.s32 $0x10, s8;
	v39 =	vcvt.s32.f32 v39;
	[tilespmem:s7+$0x0] =	vst v41;
	s7 =	sadd.s32 $0x10, s7  }
0xd7: {  	v41 =	vmulhi.u32 $0xCCCCCCCD, v40;
	v42 =	vld [tilespmem:s7+$0x0]  }
0xd8: {  	v43 =	vadd.f32 v39, v39  }
0xd9: {  	v41 =	vshrl.u32 v41, $0x3  }
0xda: {  	v41 =	vmul.u32 $0xA, v41;
	v43 =	vsub.f32 $1.000000000e+00, v43;
	_ =	sdelay $0x1  }
0xdb: {  	v60 =	vsub.s32 v41, v40;
	v61 =	vmul.f32 v42, v43  }
0xdc: {  	v40 =	vadd.s32 $0x9, v60  }
0xdd: {  	v40 =	vshrl.u32 v2, v40;
	v62 =	vadd.f32 v39, v61  }
0xde: {  	v40 =	vand.u32 $0x1, v40  }
0xdf: {  	s8 =	sadd.s32 $0x10, s7;
	v40 =	vcvt.s32.f32 v40;
	[tilespmem:s7+$0x0] =	vst v62  }
0xe0: {  	v39 =	vld [tilespmem:s8+$0x0]  }
0xe1: {  	v63 =	vadd.f32 v40, v40;
	_ =	sdelay $0x1  }
0xe2: {  	v41 =	vsub.f32 $1.000000000e+00, v63;
	_ =	sdelay $0x1  }
0xe3: {  	v39 =	vmul.f32 v39, v41;
	_ =	sdelay $0x1  }
0xe4: {  	v38 =	vshrl.u32 v3, v38;
	v39 =	vadd.f32 v40, v39  }
0xe5: {  	v38 =	vand.u32 $0x1, v38  }
0xe6: {  	v38 =	vcvt.s32.f32 v38;
	s7 =	simm.s32 $0x640;
	[tilespmem:s8+$0x0] =	vst v39;
	v39 =	vor.u32 s6, v13;
	s6 =	simm.s32 $0x20  }
.LBB2_10:
0xe7: {  	p0 =	sne.s32 s6, $0x30;
	v40 =	vmulhi.u32 $0xCCCCCCCD, v39;
	v41 =	vld [tilespmem:s7+$0x0]  }
0xe8: {  	v42 =	vadd.f32 v38, v38  }
0xe9: {  	v40 =	vshrl.u32 v40, $0x3  }
0xea: {  	v40 =	vmul.u32 $0xA, v40;
	v42 =	vsub.f32 $1.000000000e+00, v42;
	_ =	sdelay $0x1  }
.Ltmp4:
0xeb: {  	v39 =	vsub.s32 v40, v39;
	v40 =	vmul.f32 v41, v42;
	(pc) =	sbr.rel @p0 .LBB2_10-.Ltmp4, $4  }
0xec: {  	v39 =	vadd.s32 $0x9, v39  }
0xed: {  	v39 =	vshrl.u32 v3, v39;
	v40 =	vadd.f32 v38, v40  }
0xee: {  	v38 =	vand.u32 $0x1, v39  }
0xef: {  	v39 =	vor.u32 s6, v13;
	s6 =	sadd.s32 $0x10, s6;
	v38 =	vcvt.s32.f32 v38;
	[tilespmem:s7+$0x0] =	vst v40;
	s7 =	sadd.s32 $0x10, s7  }
0xf0: {  	v40 =	vmulhi.u32 $0xCCCCCCCD, v39;
	v41 =	vld [tilespmem:s7+$0x0]  }
0xf1: {  	v42 =	vadd.f32 v38, v38  }
0xf2: {  	v40 =	vshrl.u32 v40, $0x3  }
0xf3: {  	v40 =	vmul.u32 $0xA, v40;
	v42 =	vsub.f32 $1.000000000e+00, v42;
	_ =	sdelay $0x1  }
0xf4: {  	v54 =	vsub.s32 v40, v39;
	v55 =	vmul.f32 v41, v42  }
0xf5: {  	v39 =	vadd.s32 $0x9, v54  }
0xf6: {  	v39 =	vshrl.u32 v3, v39;
	v56 =	vadd.f32 v38, v55  }
0xf7: {  	v39 =	vand.u32 $0x1, v39  }
0xf8: {  	s6 =	sadd.s32 $0x10, s7;
	v39 =	vcvt.s32.f32 v39;
	[tilespmem:s7+$0x0] =	vst v56  }
0xf9: {  	v38 =	vld [tilespmem:s6+$0x0]  }
0xfa: {  	v57 =	vadd.f32 v39, v39  }
0xfb: {  	s7 =	simm.s32 $0x0  }
0xfc: {  	v58 =	vor.u32 s7, v13;
	v40 =	vsub.f32 $1.000000000e+00, v57  }
0xfd: {  	v59 =	vmulhi.u32 $0xCCCCCCCD, v58  }
0xfe: {  	v38 =	vmul.f32 v38, v40  }
0xff: {  	v60 =	vshrl.u32 v59, $0x3  }
0x100: {  	v61 =	vmul.u32 $0xA, v60;
	v38 =	vadd.f32 v39, v38;
	_ =	sdelay $0x1  }
0x101: {  	s8 =	rddreg [dreg:$0x4];
	v62 =	vsub.s32 v61, v58;
	[tilespmem:s6+$0x0] =	vst v38  }
0x102: {  	v38 =	vadd.s32 $0x9, v62;
	[hbm4b:s8+s7] =	stream.linear.scatter [tilespmem:s19], [sflag:$0x9], $0x80, $0x38;
	[tilespmem:$0x980] =	vst v63  }
0x103: {  	v63 =	vshrl.u32 v4, v38;
	_ =	swait.ge [sflag:s20], $0x80  }
0x104: {  	s6 =	simm.s32 $0x10;
	v39 =	vand.u32 $0x1, v63;
	[sflag:s20] =	ssyncset.done $0x0  }
0x105: {  	s7 =	simm.s32 $0x680;
	v40 =	vor.u32 s6, v13;
	s8 =	simm.s32 $0x20;
	v39 =	vcvt.s32.f32 v39;
	[sflag:s20] =	ssyncadd.s32 $0xFFFFFF80  }
.LBB2_12:
0x106: {  	p0 =	sne.s32 s8, $0x30;
	v41 =	vmulhi.u32 $0xCCCCCCCD, v40;
	v42 =	vld [tilespmem:s7+$0x0]  }
0x107: {  	v43 =	vadd.f32 v39, v39  }
0x108: {  	v41 =	vshrl.u32 v41, $0x3  }
0x109: {  	v41 =	vmul.u32 $0xA, v41;
	v43 =	vsub.f32 $1.000000000e+00, v43;
	_ =	sdelay $0x1  }
.Ltmp5:
0x10a: {  	v40 =	vsub.s32 v41, v40;
	v41 =	vmul.f32 v42, v43;
	(pc) =	sbr.rel @p0 .LBB2_12-.Ltmp5, $4  }
0x10b: {  	v40 =	vadd.s32 $0x9, v40  }
0x10c: {  	v40 =	vshrl.u32 v4, v40;
	v41 =	vadd.f32 v39, v41  }
0x10d: {  	v39 =	vand.u32 $0x1, v40  }
0x10e: {  	v40 =	vor.u32 s8, v13;
	s8 =	sadd.s32 $0x10, s8;
	v39 =	vcvt.s32.f32 v39;
	[tilespmem:s7+$0x0] =	vst v41;
	s7 =	sadd.s32 $0x10, s7  }
0x10f: {  	v41 =	vmulhi.u32 $0xCCCCCCCD, v40;
	v42 =	vld [tilespmem:s7+$0x0]  }
0x110: {  	v43 =	vadd.f32 v39, v39  }
0x111: {  	v41 =	vshrl.u32 v41, $0x3  }
0x112: {  	v41 =	vmul.u32 $0xA, v41;
	v43 =	vsub.f32 $1.000000000e+00, v43;
	_ =	sdelay $0x1  }
0x113: {  	v60 =	vsub.s32 v41, v40;
	v61 =	vmul.f32 v42, v43  }
0x114: {  	v40 =	vadd.s32 $0x9, v60  }
0x115: {  	v40 =	vshrl.u32 v4, v40;
	v62 =	vadd.f32 v39, v61  }
0x116: {  	v40 =	vand.u32 $0x1, v40  }
0x117: {  	s8 =	sadd.s32 $0x10, s7;
	v40 =	vcvt.s32.f32 v40;
	[tilespmem:s7+$0x0] =	vst v62  }
0x118: {  	v39 =	vld [tilespmem:s8+$0x0]  }
0x119: {  	v63 =	vadd.f32 v40, v40;
	_ =	sdelay $0x1  }
0x11a: {  	v41 =	vsub.f32 $1.000000000e+00, v63;
	_ =	sdelay $0x1  }
0x11b: {  	v39 =	vmul.f32 v39, v41;
	_ =	sdelay $0x1  }
0x11c: {  	v38 =	vshrl.u32 v5, v38;
	v39 =	vadd.f32 v40, v39  }
0x11d: {  	v38 =	vand.u32 $0x1, v38  }
0x11e: {  	v38 =	vcvt.s32.f32 v38;
	s7 =	simm.s32 $0x6C0;
	[tilespmem:s8+$0x0] =	vst v39;
	v39 =	vor.u32 s6, v13;
	s6 =	simm.s32 $0x20  }
.LBB2_14:
0x11f: {  	p0 =	sne.s32 s6, $0x30;
	v40 =	vmulhi.u32 $0xCCCCCCCD, v39;
	v41 =	vld [tilespmem:s7+$0x0]  }
0x120: {  	v42 =	vadd.f32 v38, v38  }
0x121: {  	v40 =	vshrl.u32 v40, $0x3  }
0x122: {  	v40 =	vmul.u32 $0xA, v40;
	v42 =	vsub.f32 $1.000000000e+00, v42;
	_ =	sdelay $0x1  }
.Ltmp6:
0x123: {  	v39 =	vsub.s32 v40, v39;
	v40 =	vmul.f32 v41, v42;
	(pc) =	sbr.rel @p0 .LBB2_14-.Ltmp6, $4  }
0x124: {  	v39 =	vadd.s32 $0x9, v39  }
0x125: {  	v39 =	vshrl.u32 v5, v39;
	v40 =	vadd.f32 v38, v40  }
0x126: {  	v38 =	vand.u32 $0x1, v39  }
0x127: {  	v39 =	vor.u32 s6, v13;
	s6 =	sadd.s32 $0x10, s6;
	v38 =	vcvt.s32.f32 v38;
	[tilespmem:s7+$0x0] =	vst v40;
	s7 =	sadd.s32 $0x10, s7  }
0x128: {  	v40 =	vmulhi.u32 $0xCCCCCCCD, v39;
	v41 =	vld [tilespmem:s7+$0x0]  }
0x129: {  	v42 =	vadd.f32 v38, v38  }
0x12a: {  	v40 =	vshrl.u32 v40, $0x3  }
0x12b: {  	v40 =	vmul.u32 $0xA, v40;
	v42 =	vsub.f32 $1.000000000e+00, v42;
	_ =	sdelay $0x1  }
0x12c: {  	v54 =	vsub.s32 v40, v39;
	v55 =	vmul.f32 v41, v42  }
0x12d: {  	v39 =	vadd.s32 $0x9, v54  }
0x12e: {  	v39 =	vshrl.u32 v5, v39;
	v56 =	vadd.f32 v38, v55  }
0x12f: {  	v39 =	vand.u32 $0x1, v39  }
0x130: {  	s6 =	sadd.s32 $0x10, s7;
	v39 =	vcvt.s32.f32 v39;
	[tilespmem:s7+$0x0] =	vst v56  }
0x131: {  	v38 =	vld [tilespmem:s6+$0x0]  }
0x132: {  	v57 =	vadd.f32 v39, v39  }
0x133: {  	s7 =	simm.s32 $0x0  }
0x134: {  	v58 =	vor.u32 s7, v13;
	v40 =	vsub.f32 $1.000000000e+00, v57  }
0x135: {  	v59 =	vmulhi.u32 $0xCCCCCCCD, v58  }
0x136: {  	v38 =	vmul.f32 v38, v40  }
0x137: {  	v60 =	vshrl.u32 v59, $0x3  }
0x138: {  	v61 =	vmul.u32 $0xA, v60;
	v38 =	vadd.f32 v39, v38;
	_ =	sdelay $0x1  }
0x139: {  	s8 =	rddreg [dreg:$0x5];
	v62 =	vsub.s32 v61, v58;
	[tilespmem:s6+$0x0] =	vst v38  }
0x13a: {  	v38 =	vadd.s32 $0x9, v62;
	[hbm4b:s8+s7] =	stream.linear.scatter [tilespmem:s21], [sflag:$0x9], $0x80, $0x38;
	[tilespmem:$0x980] =	vst v63  }
0x13b: {  	v63 =	vshrl.u32 v6, v38;
	_ =	swait.ge [sflag:s22], $0x80  }
0x13c: {  	s6 =	simm.s32 $0x10;
	v39 =	vand.u32 $0x1, v63;
	[sflag:s22] =	ssyncset.done $0x0  }
0x13d: {  	s7 =	simm.s32 $0x700;
	v40 =	vor.u32 s6, v13;
	s8 =	simm.s32 $0x20;
	v39 =	vcvt.s32.f32 v39;
	[sflag:s22] =	ssyncadd.s32 $0xFFFFFF80  }
.LBB2_16:
0x13e: {  	p0 =	sne.s32 s8, $0x30;
	v41 =	vmulhi.u32 $0xCCCCCCCD, v40;
	v42 =	vld [tilespmem:s7+$0x0]  }
0x13f: {  	v43 =	vadd.f32 v39, v39  }
0x140: {  	v41 =	vshrl.u32 v41, $0x3  }
0x141: {  	v41 =	vmul.u32 $0xA, v41;
	v43 =	vsub.f32 $1.000000000e+00, v43;
	_ =	sdelay $0x1  }
.Ltmp7:
0x142: {  	v40 =	vsub.s32 v41, v40;
	v41 =	vmul.f32 v42, v43;
	(pc) =	sbr.rel @p0 .LBB2_16-.Ltmp7, $4  }
0x143: {  	v40 =	vadd.s32 $0x9, v40  }
0x144: {  	v40 =	vshrl.u32 v6, v40;
	v41 =	vadd.f32 v39, v41  }
0x145: {  	v39 =	vand.u32 $0x1, v40  }
0x146: {  	v40 =	vor.u32 s8, v13;
	s8 =	sadd.s32 $0x10, s8;
	v39 =	vcvt.s32.f32 v39;
	[tilespmem:s7+$0x0] =	vst v41;
	s7 =	sadd.s32 $0x10, s7  }
0x147: {  	v41 =	vmulhi.u32 $0xCCCCCCCD, v40;
	v42 =	vld [tilespmem:s7+$0x0]  }
0x148: {  	v43 =	vadd.f32 v39, v39  }
0x149: {  	v41 =	vshrl.u32 v41, $0x3  }
0x14a: {  	v41 =	vmul.u32 $0xA, v41;
	v43 =	vsub.f32 $1.000000000e+00, v43;
	_ =	sdelay $0x1  }
0x14b: {  	v60 =	vsub.s32 v41, v40;
	v61 =	vmul.f32 v42, v43  }
0x14c: {  	v40 =	vadd.s32 $0x9, v60  }
0x14d: {  	v40 =	vshrl.u32 v6, v40;
	v62 =	vadd.f32 v39, v61  }
0x14e: {  	v40 =	vand.u32 $0x1, v40  }
0x14f: {  	s8 =	sadd.s32 $0x10, s7;
	v40 =	vcvt.s32.f32 v40;
	[tilespmem:s7+$0x0] =	vst v62  }
0x150: {  	v39 =	vld [tilespmem:s8+$0x0]  }
0x151: {  	v63 =	vadd.f32 v40, v40;
	_ =	sdelay $0x1  }
0x152: {  	v41 =	vsub.f32 $1.000000000e+00, v63;
	_ =	sdelay $0x1  }
0x153: {  	v39 =	vmul.f32 v39, v41;
	_ =	sdelay $0x1  }
0x154: {  	v38 =	vshrl.u32 v7, v38;
	v39 =	vadd.f32 v40, v39  }
0x155: {  	v38 =	vand.u32 $0x1, v38  }
0x156: {  	v38 =	vcvt.s32.f32 v38;
	s7 =	simm.s32 $0x740;
	[tilespmem:s8+$0x0] =	vst v39;
	v39 =	vor.u32 s6, v13;
	s6 =	simm.s32 $0x20  }
.LBB2_18:
0x157: {  	p0 =	sne.s32 s6, $0x30;
	v40 =	vmulhi.u32 $0xCCCCCCCD, v39;
	v41 =	vld [tilespmem:s7+$0x0]  }
0x158: {  	v42 =	vadd.f32 v38, v38  }
0x159: {  	v40 =	vshrl.u32 v40, $0x3  }
0x15a: {  	v40 =	vmul.u32 $0xA, v40;
	v42 =	vsub.f32 $1.000000000e+00, v42;
	_ =	sdelay $0x1  }
.Ltmp8:
0x15b: {  	v39 =	vsub.s32 v40, v39;
	v40 =	vmul.f32 v41, v42;
	(pc) =	sbr.rel @p0 .LBB2_18-.Ltmp8, $4  }
0x15c: {  	v39 =	vadd.s32 $0x9, v39  }
0x15d: {  	v39 =	vshrl.u32 v7, v39;
	v40 =	vadd.f32 v38, v40  }
0x15e: {  	v38 =	vand.u32 $0x1, v39  }
0x15f: {  	v39 =	vor.u32 s6, v13;
	s6 =	sadd.s32 $0x10, s6;
	v38 =	vcvt.s32.f32 v38;
	[tilespmem:s7+$0x0] =	vst v40;
	s7 =	sadd.s32 $0x10, s7  }
0x160: {  	v40 =	vmulhi.u32 $0xCCCCCCCD, v39;
	v41 =	vld [tilespmem:s7+$0x0]  }
0x161: {  	v42 =	vadd.f32 v38, v38  }
0x162: {  	v40 =	vshrl.u32 v40, $0x3  }
0x163: {  	v40 =	vmul.u32 $0xA, v40;
	v42 =	vsub.f32 $1.000000000e+00, v42;
	_ =	sdelay $0x1  }
0x164: {  	v54 =	vsub.s32 v40, v39;
	v55 =	vmul.f32 v41, v42  }
0x165: {  	v39 =	vadd.s32 $0x9, v54  }
0x166: {  	v39 =	vshrl.u32 v7, v39;
	v56 =	vadd.f32 v38, v55  }
0x167: {  	v39 =	vand.u32 $0x1, v39  }
0x168: {  	s6 =	sadd.s32 $0x10, s7;
	v39 =	vcvt.s32.f32 v39;
	[tilespmem:s7+$0x0] =	vst v56  }
0x169: {  	v38 =	vld [tilespmem:s6+$0x0]  }
0x16a: {  	v57 =	vadd.f32 v39, v39  }
0x16b: {  	s7 =	simm.s32 $0x0  }
0x16c: {  	v58 =	vor.u32 s7, v13;
	v40 =	vsub.f32 $1.000000000e+00, v57  }
0x16d: {  	v59 =	vmulhi.u32 $0xCCCCCCCD, v58  }
0x16e: {  	v38 =	vmul.f32 v38, v40  }
0x16f: {  	v60 =	vshrl.u32 v59, $0x3  }
0x170: {  	v61 =	vmul.u32 $0xA, v60;
	v38 =	vadd.f32 v39, v38;
	_ =	sdelay $0x1  }
0x171: {  	s8 =	rddreg [dreg:$0x6];
	v62 =	vsub.s32 v61, v58;
	[tilespmem:s6+$0x0] =	vst v38  }
0x172: {  	v38 =	vadd.s32 $0x9, v62;
	[hbm4b:s8+s7] =	stream.linear.scatter [tilespmem:s23], [sflag:$0x9], $0x80, $0x38;
	[tilespmem:$0x980] =	vst v63  }
0x173: {  	v63 =	vshrl.u32 v8, v38;
	_ =	swait.ge [sflag:s24], $0x80  }
0x174: {  	s6 =	simm.s32 $0x10;
	v39 =	vand.u32 $0x1, v63;
	[sflag:s24] =	ssyncset.done $0x0  }
0x175: {  	s7 =	simm.s32 $0x780;
	v40 =	vor.u32 s6, v13;
	s8 =	simm.s32 $0x20;
	v39 =	vcvt.s32.f32 v39;
	[sflag:s24] =	ssyncadd.s32 $0xFFFFFF80  }
.LBB2_20:
0x176: {  	p0 =	sne.s32 s8, $0x30;
	v41 =	vmulhi.u32 $0xCCCCCCCD, v40;
	v42 =	vld [tilespmem:s7+$0x0]  }
0x177: {  	v43 =	vadd.f32 v39, v39  }
0x178: {  	v41 =	vshrl.u32 v41, $0x3  }
0x179: {  	v41 =	vmul.u32 $0xA, v41;
	v43 =	vsub.f32 $1.000000000e+00, v43;
	_ =	sdelay $0x1  }
.Ltmp9:
0x17a: {  	v40 =	vsub.s32 v41, v40;
	v41 =	vmul.f32 v42, v43;
	(pc) =	sbr.rel @p0 .LBB2_20-.Ltmp9, $4  }
0x17b: {  	v40 =	vadd.s32 $0x9, v40  }
0x17c: {  	v40 =	vshrl.u32 v8, v40;
	v41 =	vadd.f32 v39, v41  }
0x17d: {  	v39 =	vand.u32 $0x1, v40  }
0x17e: {  	v40 =	vor.u32 s8, v13;
	s8 =	sadd.s32 $0x10, s8;
	v39 =	vcvt.s32.f32 v39;
	[tilespmem:s7+$0x0] =	vst v41;
	s7 =	sadd.s32 $0x10, s7  }
0x17f: {  	v41 =	vmulhi.u32 $0xCCCCCCCD, v40;
	v42 =	vld [tilespmem:s7+$0x0]  }
0x180: {  	v43 =	vadd.f32 v39, v39  }
0x181: {  	v41 =	vshrl.u32 v41, $0x3  }
0x182: {  	v41 =	vmul.u32 $0xA, v41;
	v43 =	vsub.f32 $1.000000000e+00, v43;
	_ =	sdelay $0x1  }
0x183: {  	v60 =	vsub.s32 v41, v40;
	v61 =	vmul.f32 v42, v43  }
0x184: {  	v40 =	vadd.s32 $0x9, v60  }
0x185: {  	v40 =	vshrl.u32 v8, v40;
	v62 =	vadd.f32 v39, v61  }
0x186: {  	v40 =	vand.u32 $0x1, v40  }
0x187: {  	s8 =	sadd.s32 $0x10, s7;
	v40 =	vcvt.s32.f32 v40;
	[tilespmem:s7+$0x0] =	vst v62  }
0x188: {  	v39 =	vld [tilespmem:s8+$0x0]  }
0x189: {  	v63 =	vadd.f32 v40, v40;
	_ =	sdelay $0x1  }
0x18a: {  	v41 =	vsub.f32 $1.000000000e+00, v63;
	_ =	sdelay $0x1  }
0x18b: {  	v39 =	vmul.f32 v39, v41;
	_ =	sdelay $0x1  }
0x18c: {  	v38 =	vshrl.u32 v9, v38;
	v39 =	vadd.f32 v40, v39  }
0x18d: {  	v38 =	vand.u32 $0x1, v38  }
0x18e: {  	v38 =	vcvt.s32.f32 v38;
	s7 =	simm.s32 $0x7C0;
	[tilespmem:s8+$0x0] =	vst v39;
	v39 =	vor.u32 s6, v13;
	s6 =	simm.s32 $0x20  }
.LBB2_22:
0x18f: {  	p0 =	sne.s32 s6, $0x30;
	v40 =	vmulhi.u32 $0xCCCCCCCD, v39;
	v41 =	vld [tilespmem:s7+$0x0]  }
0x190: {  	v42 =	vadd.f32 v38, v38  }
0x191: {  	v40 =	vshrl.u32 v40, $0x3  }
0x192: {  	v40 =	vmul.u32 $0xA, v40;
	v42 =	vsub.f32 $1.000000000e+00, v42;
	_ =	sdelay $0x1  }
.Ltmp10:
0x193: {  	v39 =	vsub.s32 v40, v39;
	v40 =	vmul.f32 v41, v42;
	(pc) =	sbr.rel @p0 .LBB2_22-.Ltmp10, $4  }
0x194: {  	v39 =	vadd.s32 $0x9, v39  }
0x195: {  	v39 =	vshrl.u32 v9, v39;
	v40 =	vadd.f32 v38, v40  }
0x196: {  	v38 =	vand.u32 $0x1, v39  }
0x197: {  	v39 =	vor.u32 s6, v13;
	s6 =	sadd.s32 $0x10, s6;
	v38 =	vcvt.s32.f32 v38;
	[tilespmem:s7+$0x0] =	vst v40;
	s7 =	sadd.s32 $0x10, s7  }
0x198: {  	v40 =	vmulhi.u32 $0xCCCCCCCD, v39;
	v41 =	vld [tilespmem:s7+$0x0]  }
0x199: {  	v42 =	vadd.f32 v38, v38  }
0x19a: {  	v40 =	vshrl.u32 v40, $0x3  }
0x19b: {  	v40 =	vmul.u32 $0xA, v40;
	v42 =	vsub.f32 $1.000000000e+00, v42;
	_ =	sdelay $0x1  }
0x19c: {  	v54 =	vsub.s32 v40, v39;
	v55 =	vmul.f32 v41, v42  }
0x19d: {  	v39 =	vadd.s32 $0x9, v54  }
0x19e: {  	v39 =	vshrl.u32 v9, v39;
	v56 =	vadd.f32 v38, v55  }
0x19f: {  	v39 =	vand.u32 $0x1, v39  }
0x1a0: {  	s6 =	sadd.s32 $0x10, s7;
	v39 =	vcvt.s32.f32 v39;
	[tilespmem:s7+$0x0] =	vst v56  }
0x1a1: {  	v38 =	vld [tilespmem:s6+$0x0]  }
0x1a2: {  	v57 =	vadd.f32 v39, v39  }
0x1a3: {  	s8 =	simm.s32 $0x0  }
0x1a4: {  	v58 =	vor.u32 s8, v13;
	v40 =	vsub.f32 $1.000000000e+00, v57  }
0x1a5: {  	v59 =	vmulhi.u32 $0xCCCCCCCD, v58  }
0x1a6: {  	v38 =	vmul.f32 v38, v40  }
0x1a7: {  	v60 =	vshrl.u32 v59, $0x3  }
0x1a8: {  	v61 =	vmul.u32 $0xA, v60;
	v38 =	vadd.f32 v39, v38;
	_ =	sdelay $0x1  }
0x1a9: {  	v62 =	vsub.s32 v61, v58;
	[tilespmem:s6+$0x0] =	vst v38  }
0x1aa: {  	v38 =	vadd.s32 $0x9, v62;
	[hbm4b:s9+s8] =	stream.linear.scatter [tilespmem:s25], [sflag:$0x9], $0x80, $0x38;
	[tilespmem:$0x980] =	vst v63  }
0x1ab: {  	v63 =	vshrl.u32 v10, v38;
	_ =	swait.ge [sflag:s26], $0x80  }
0x1ac: {  	s6 =	simm.s32 $0x10;
	v39 =	vand.u32 $0x1, v63;
	[sflag:s26] =	ssyncset.done $0x0  }
0x1ad: {  	s7 =	simm.s32 $0x800;
	v40 =	vor.u32 s6, v13;
	s8 =	simm.s32 $0x20;
	v39 =	vcvt.s32.f32 v39;
	[sflag:s26] =	ssyncadd.s32 $0xFFFFFF80  }
.LBB2_24:
0x1ae: {  	p0 =	sne.s32 s8, $0x30;
	v41 =	vmulhi.u32 $0xCCCCCCCD, v40;
	v42 =	vld [tilespmem:s7+$0x0]  }
0x1af: {  	v43 =	vadd.f32 v39, v39  }
0x1b0: {  	v41 =	vshrl.u32 v41, $0x3  }
0x1b1: {  	v41 =	vmul.u32 $0xA, v41;
	v43 =	vsub.f32 $1.000000000e+00, v43;
	_ =	sdelay $0x1  }
.Ltmp11:
0x1b2: {  	v40 =	vsub.s32 v41, v40;
	v41 =	vmul.f32 v42, v43;
	(pc) =	sbr.rel @p0 .LBB2_24-.Ltmp11, $4  }
0x1b3: {  	v40 =	vadd.s32 $0x9, v40  }
0x1b4: {  	v40 =	vshrl.u32 v10, v40;
	v41 =	vadd.f32 v39, v41  }
0x1b5: {  	v39 =	vand.u32 $0x1, v40  }
0x1b6: {  	v40 =	vor.u32 s8, v13;
	s8 =	sadd.s32 $0x10, s8;
	v39 =	vcvt.s32.f32 v39;
	[tilespmem:s7+$0x0] =	vst v41;
	s7 =	sadd.s32 $0x10, s7  }
0x1b7: {  	v41 =	vmulhi.u32 $0xCCCCCCCD, v40;
	v42 =	vld [tilespmem:s7+$0x0]  }
0x1b8: {  	v43 =	vadd.f32 v39, v39  }
0x1b9: {  	v41 =	vshrl.u32 v41, $0x3  }
0x1ba: {  	v41 =	vmul.u32 $0xA, v41;
	v43 =	vsub.f32 $1.000000000e+00, v43;
	_ =	sdelay $0x1  }
0x1bb: {  	v60 =	vsub.s32 v41, v40;
	v61 =	vmul.f32 v42, v43  }
0x1bc: {  	v40 =	vadd.s32 $0x9, v60  }
0x1bd: {  	v40 =	vshrl.u32 v10, v40;
	v62 =	vadd.f32 v39, v61  }
0x1be: {  	v40 =	vand.u32 $0x1, v40  }
0x1bf: {  	s8 =	sadd.s32 $0x10, s7;
	v40 =	vcvt.s32.f32 v40;
	[tilespmem:s7+$0x0] =	vst v62  }
0x1c0: {  	v39 =	vld [tilespmem:s8+$0x0]  }
0x1c1: {  	v63 =	vadd.f32 v40, v40;
	_ =	sdelay $0x1  }
0x1c2: {  	v41 =	vsub.f32 $1.000000000e+00, v63;
	_ =	sdelay $0x1  }
0x1c3: {  	v39 =	vmul.f32 v39, v41;
	_ =	sdelay $0x1  }
0x1c4: {  	v38 =	vshrl.u32 v11, v38;
	v39 =	vadd.f32 v40, v39  }
0x1c5: {  	v38 =	vand.u32 $0x1, v38  }
0x1c6: {  	v38 =	vcvt.s32.f32 v38;
	s7 =	simm.s32 $0x840;
	[tilespmem:s8+$0x0] =	vst v39;
	v39 =	vor.u32 s6, v13;
	s6 =	simm.s32 $0x20  }
.LBB2_26:
0x1c7: {  	p0 =	sne.s32 s6, $0x30;
	v40 =	vmulhi.u32 $0xCCCCCCCD, v39;
	v41 =	vld [tilespmem:s7+$0x0]  }
0x1c8: {  	v42 =	vadd.f32 v38, v38  }
0x1c9: {  	v40 =	vshrl.u32 v40, $0x3  }
0x1ca: {  	v40 =	vmul.u32 $0xA, v40;
	v42 =	vsub.f32 $1.000000000e+00, v42;
	_ =	sdelay $0x1  }
.Ltmp12:
0x1cb: {  	v39 =	vsub.s32 v40, v39;
	v40 =	vmul.f32 v41, v42;
	(pc) =	sbr.rel @p0 .LBB2_26-.Ltmp12, $4  }
0x1cc: {  	v39 =	vadd.s32 $0x9, v39  }
0x1cd: {  	v39 =	vshrl.u32 v11, v39;
	v40 =	vadd.f32 v38, v40  }
0x1ce: {  	v38 =	vand.u32 $0x1, v39  }
0x1cf: {  	v39 =	vor.u32 s6, v13;
	s6 =	sadd.s32 $0x10, s6;
	v38 =	vcvt.s32.f32 v38;
	[tilespmem:s7+$0x0] =	vst v40;
	s7 =	sadd.s32 $0x10, s7  }
0x1d0: {  	v40 =	vmulhi.u32 $0xCCCCCCCD, v39;
	v41 =	vld [tilespmem:s7+$0x0]  }
0x1d1: {  	v42 =	vadd.f32 v38, v38  }
0x1d2: {  	v40 =	vshrl.u32 v40, $0x3  }
0x1d3: {  	v40 =	vmul.u32 $0xA, v40;
	v42 =	vsub.f32 $1.000000000e+00, v42;
	_ =	sdelay $0x1  }
0x1d4: {  	v54 =	vsub.s32 v40, v39;
	v55 =	vmul.f32 v41, v42  }
0x1d5: {  	v39 =	vadd.s32 $0x9, v54  }
0x1d6: {  	v39 =	vshrl.u32 v11, v39;
	v56 =	vadd.f32 v38, v55  }
0x1d7: {  	v39 =	vand.u32 $0x1, v39  }
0x1d8: {  	s6 =	sadd.s32 $0x10, s7;
	v39 =	vcvt.s32.f32 v39;
	[tilespmem:s7+$0x0] =	vst v56  }
0x1d9: {  	v38 =	vld [tilespmem:s6+$0x0]  }
0x1da: {  	v57 =	vadd.f32 v39, v39  }
0x1db: {  	s8 =	simm.s32 $0x0  }
0x1dc: {  	v58 =	vor.u32 s8, v13;
	v40 =	vsub.f32 $1.000000000e+00, v57  }
0x1dd: {  	v59 =	vmulhi.u32 $0xCCCCCCCD, v58  }
0x1de: {  	v38 =	vmul.f32 v38, v40  }
0x1df: {  	v60 =	vshrl.u32 v59, $0x3  }
0x1e0: {  	v61 =	vmul.u32 $0xA, v60;
	v38 =	vadd.f32 v39, v38;
	_ =	sdelay $0x1  }
0x1e1: {  	v62 =	vsub.s32 v61, v58;
	[tilespmem:s6+$0x0] =	vst v38  }
0x1e2: {  	v38 =	vadd.s32 $0x9, v62;
	[hbm4b:s10+s8] =	stream.linear.scatter [tilespmem:s28], [sflag:$0x9], $0x80, $0x38;
	[tilespmem:$0x980] =	vst v63  }
0x1e3: {  	v63 =	vshrl.u32 v12, v38;
	_ =	swait.ge [sflag:s29], $0x80  }
0x1e4: {  	s6 =	simm.s32 $0x10;
	v39 =	vand.u32 $0x1, v63;
	[sflag:s29] =	ssyncset.done $0x0  }
0x1e5: {  	s7 =	simm.s32 $0x880;
	v40 =	vor.u32 s6, v13;
	s8 =	simm.s32 $0x20;
	v39 =	vcvt.s32.f32 v39;
	[sflag:s29] =	ssyncadd.s32 $0xFFFFFF80  }
.LBB2_28:
0x1e6: {  	p0 =	sne.s32 s8, $0x30;
	v41 =	vmulhi.u32 $0xCCCCCCCD, v40;
	v42 =	vld [tilespmem:s7+$0x0]  }
0x1e7: {  	v43 =	vadd.f32 v39, v39  }
0x1e8: {  	v41 =	vshrl.u32 v41, $0x3  }
0x1e9: {  	v41 =	vmul.u32 $0xA, v41;
	v43 =	vsub.f32 $1.000000000e+00, v43;
	_ =	sdelay $0x1  }
.Ltmp13:
0x1ea: {  	v40 =	vsub.s32 v41, v40;
	v41 =	vmul.f32 v42, v43;
	(pc) =	sbr.rel @p0 .LBB2_28-.Ltmp13, $4  }
0x1eb: {  	v40 =	vadd.s32 $0x9, v40  }
0x1ec: {  	v40 =	vshrl.u32 v12, v40;
	v41 =	vadd.f32 v39, v41  }
0x1ed: {  	v39 =	vand.u32 $0x1, v40  }
0x1ee: {  	v40 =	vor.u32 s8, v13;
	s8 =	sadd.s32 $0x10, s8;
	v39 =	vcvt.s32.f32 v39;
	[tilespmem:s7+$0x0] =	vst v41;
	s7 =	sadd.s32 $0x10, s7  }
0x1ef: {  	v41 =	vmulhi.u32 $0xCCCCCCCD, v40;
	v42 =	vld [tilespmem:s7+$0x0]  }
0x1f0: {  	v43 =	vadd.f32 v39, v39  }
0x1f1: {  	v41 =	vshrl.u32 v41, $0x3  }
0x1f2: {  	v41 =	vmul.u32 $0xA, v41;
	v43 =	vsub.f32 $1.000000000e+00, v43;
	_ =	sdelay $0x1  }
0x1f3: {  	v60 =	vsub.s32 v41, v40;
	v61 =	vmul.f32 v42, v43  }
0x1f4: {  	v40 =	vadd.s32 $0x9, v60  }
0x1f5: {  	v40 =	vshrl.u32 v12, v40;
	v62 =	vadd.f32 v39, v61  }
0x1f6: {  	v40 =	vand.u32 $0x1, v40  }
0x1f7: {  	s8 =	sadd.s32 $0x10, s7;
	v40 =	vcvt.s32.f32 v40;
	[tilespmem:s7+$0x0] =	vst v62  }
0x1f8: {  	v39 =	vld [tilespmem:s8+$0x0]  }
0x1f9: {  	v63 =	vadd.f32 v40, v40;
	_ =	sdelay $0x1  }
0x1fa: {  	v41 =	vsub.f32 $1.000000000e+00, v63;
	_ =	sdelay $0x1  }
0x1fb: {  	v39 =	vmul.f32 v39, v41;
	_ =	sdelay $0x1  }
0x1fc: {  	v38 =	vshrl.u32 v14, v38;
	v39 =	vadd.f32 v40, v39  }
0x1fd: {  	v38 =	vand.u32 $0x1, v38  }
0x1fe: {  	v38 =	vcvt.s32.f32 v38;
	s7 =	simm.s32 $0x8C0;
	[tilespmem:s8+$0x0] =	vst v39;
	v39 =	vor.u32 s6, v13;
	s6 =	simm.s32 $0x20  }
.LBB2_30:
0x1ff: {  	p0 =	sne.s32 s6, $0x30;
	v40 =	vmulhi.u32 $0xCCCCCCCD, v39;
	v41 =	vld [tilespmem:s7+$0x0]  }
0x200: {  	v42 =	vadd.f32 v38, v38  }
0x201: {  	v40 =	vshrl.u32 v40, $0x3  }
0x202: {  	v40 =	vmul.u32 $0xA, v40;
	v42 =	vsub.f32 $1.000000000e+00, v42;
	_ =	sdelay $0x1  }
.Ltmp14:
0x203: {  	v39 =	vsub.s32 v40, v39;
	v40 =	vmul.f32 v41, v42;
	(pc) =	sbr.rel @p0 .LBB2_30-.Ltmp14, $4  }
0x204: {  	v39 =	vadd.s32 $0x9, v39  }
0x205: {  	v39 =	vshrl.u32 v14, v39;
	v40 =	vadd.f32 v38, v40  }
0x206: {  	v38 =	vand.u32 $0x1, v39  }
0x207: {  	v39 =	vor.u32 s6, v13;
	s6 =	sadd.s32 $0x10, s6;
	v38 =	vcvt.s32.f32 v38;
	[tilespmem:s7+$0x0] =	vst v40;
	s7 =	sadd.s32 $0x10, s7  }
0x208: {  	v40 =	vmulhi.u32 $0xCCCCCCCD, v39;
	v41 =	vld [tilespmem:s7+$0x0]  }
0x209: {  	v42 =	vadd.f32 v38, v38  }
0x20a: {  	v40 =	vshrl.u32 v40, $0x3  }
0x20b: {  	v40 =	vmul.u32 $0xA, v40;
	v42 =	vsub.f32 $1.000000000e+00, v42;
	_ =	sdelay $0x1  }
0x20c: {  	v54 =	vsub.s32 v40, v39;
	v55 =	vmul.f32 v41, v42  }
0x20d: {  	v39 =	vadd.s32 $0x9, v54  }
0x20e: {  	v39 =	vshrl.u32 v14, v39;
	v56 =	vadd.f32 v38, v55  }
0x20f: {  	v39 =	vand.u32 $0x1, v39  }
0x210: {  	s6 =	sadd.s32 $0x10, s7;
	v39 =	vcvt.s32.f32 v39;
	[tilespmem:s7+$0x0] =	vst v56  }
0x211: {  	v38 =	vld [tilespmem:s6+$0x0]  }
0x212: {  	v57 =	vadd.f32 v39, v39  }
0x213: {  	s8 =	simm.s32 $0x0  }
0x214: {  	v58 =	vor.u32 s8, v13;
	v40 =	vsub.f32 $1.000000000e+00, v57  }
0x215: {  	v59 =	vmulhi.u32 $0xCCCCCCCD, v58  }
0x216: {  	v38 =	vmul.f32 v38, v40  }
0x217: {  	v60 =	vshrl.u32 v59, $0x3  }
0x218: {  	v61 =	vmul.u32 $0xA, v60;
	v38 =	vadd.f32 v39, v38;
	_ =	sdelay $0x1  }
0x219: {  	v62 =	vsub.s32 v61, v58;
	[tilespmem:s6+$0x0] =	vst v38  }
0x21a: {  	v38 =	vadd.s32 $0x9, v62;
	[hbm4b:s11+s8] =	stream.linear.scatter [tilespmem:s30], [sflag:$0x9], $0x80, $0x38;
	[tilespmem:$0x980] =	vst v63  }
0x21b: {  	v63 =	vshrl.u32 v15, v38;
	_ =	swait.ge [sflag:s31], $0x80  }
0x21c: {  	s6 =	simm.s32 $0x10;
	v39 =	vand.u32 $0x1, v63;
	[sflag:s31] =	ssyncset.done $0x0  }
0x21d: {  	s7 =	simm.s32 $0x900;
	v40 =	vor.u32 s6, v13;
	s8 =	simm.s32 $0x20;
	v39 =	vcvt.s32.f32 v39;
	[sflag:s31] =	ssyncadd.s32 $0xFFFFFF80  }
.LBB2_32:
0x21e: {  	p0 =	sne.s32 s8, $0x30;
	v41 =	vmulhi.u32 $0xCCCCCCCD, v40;
	v42 =	vld [tilespmem:s7+$0x0]  }
0x21f: {  	v43 =	vadd.f32 v39, v39  }
0x220: {  	v41 =	vshrl.u32 v41, $0x3  }
0x221: {  	v41 =	vmul.u32 $0xA, v41;
	v43 =	vsub.f32 $1.000000000e+00, v43;
	_ =	sdelay $0x1  }
.Ltmp15:
0x222: {  	v40 =	vsub.s32 v41, v40;
	v41 =	vmul.f32 v42, v43;
	(pc) =	sbr.rel @p0 .LBB2_32-.Ltmp15, $4  }
0x223: {  	v40 =	vadd.s32 $0x9, v40  }
0x224: {  	v40 =	vshrl.u32 v15, v40;
	v41 =	vadd.f32 v39, v41  }
0x225: {  	v39 =	vand.u32 $0x1, v40  }
0x226: {  	v40 =	vor.u32 s8, v13;
	s8 =	sadd.s32 $0x10, s8;
	v39 =	vcvt.s32.f32 v39;
	[tilespmem:s7+$0x0] =	vst v41;
	s7 =	sadd.s32 $0x10, s7  }
0x227: {  	v41 =	vmulhi.u32 $0xCCCCCCCD, v40;
	v42 =	vld [tilespmem:s7+$0x0]  }
0x228: {  	v43 =	vadd.f32 v39, v39  }
0x229: {  	v41 =	vshrl.u32 v41, $0x3  }
0x22a: {  	v41 =	vmul.u32 $0xA, v41;
	v43 =	vsub.f32 $1.000000000e+00, v43;
	_ =	sdelay $0x1  }
0x22b: {  	v60 =	vsub.s32 v41, v40;
	v61 =	vmul.f32 v42, v43  }
0x22c: {  	v40 =	vadd.s32 $0x9, v60  }
0x22d: {  	v40 =	vshrl.u32 v15, v40;
	v62 =	vadd.f32 v39, v61  }
0x22e: {  	v40 =	vand.u32 $0x1, v40  }
0x22f: {  	s8 =	sadd.s32 $0x10, s7;
	v40 =	vcvt.s32.f32 v40;
	[tilespmem:s7+$0x0] =	vst v62  }
0x230: {  	v39 =	vld [tilespmem:s8+$0x0]  }
0x231: {  	v63 =	vadd.f32 v40, v40;
	_ =	sdelay $0x1  }
0x232: {  	v41 =	vsub.f32 $1.000000000e+00, v63;
	_ =	sdelay $0x1  }
0x233: {  	v39 =	vmul.f32 v39, v41;
	_ =	sdelay $0x1  }
0x234: {  	v38 =	vshrl.u32 v17, v38;
	v39 =	vadd.f32 v40, v39  }
0x235: {  	v38 =	vand.u32 $0x1, v38  }
0x236: {  	v38 =	vcvt.s32.f32 v38;
	s7 =	simm.s32 $0x940;
	[tilespmem:s8+$0x0] =	vst v39;
	v39 =	vor.u32 s6, v13;
	s6 =	simm.s32 $0x20  }
.LBB2_34:
0x237: {  	p0 =	sne.s32 s6, $0x30;
	v40 =	vmulhi.u32 $0xCCCCCCCD, v39;
	v41 =	vld [tilespmem:s7+$0x0]  }
0x238: {  	v42 =	vadd.f32 v38, v38  }
0x239: {  	v40 =	vshrl.u32 v40, $0x3  }
0x23a: {  	v40 =	vmul.u32 $0xA, v40;
	v42 =	vsub.f32 $1.000000000e+00, v42;
	_ =	sdelay $0x1  }
.Ltmp16:
0x23b: {  	v39 =	vsub.s32 v40, v39;
	v40 =	vmul.f32 v41, v42;
	(pc) =	sbr.rel @p0 .LBB2_34-.Ltmp16, $4  }
0x23c: {  	v39 =	vadd.s32 $0x9, v39  }
0x23d: {  	v39 =	vshrl.u32 v17, v39;
	v40 =	vadd.f32 v38, v40  }
0x23e: {  	v38 =	vand.u32 $0x1, v39  }
0x23f: {  	v39 =	vor.u32 s6, v13;
	s6 =	sadd.s32 $0x10, s6;
	v38 =	vcvt.s32.f32 v38;
	[tilespmem:s7+$0x0] =	vst v40;
	s7 =	sadd.s32 $0x10, s7  }
0x240: {  	v40 =	vmulhi.u32 $0xCCCCCCCD, v39;
	v41 =	vld [tilespmem:s7+$0x0]  }
0x241: {  	v42 =	vadd.f32 v38, v38  }
0x242: {  	v40 =	vshrl.u32 v40, $0x3  }
0x243: {  	v40 =	vmul.u32 $0xA, v40;
	v42 =	vsub.f32 $1.000000000e+00, v42;
	_ =	sdelay $0x1  }
0x244: {  	v60 =	vsub.s32 v40, v39;
	v61 =	vmul.f32 v41, v42  }
0x245: {  	v39 =	vadd.s32 $0x9, v60  }
0x246: {  	v39 =	vshrl.u32 v17, v39;
	v62 =	vadd.f32 v38, v61  }
0x247: {  	v39 =	vand.u32 $0x1, v39  }
0x248: {  	s6 =	sadd.s32 $0x10, s7;
	v39 =	vcvt.s32.f32 v39;
	[tilespmem:s7+$0x0] =	vst v62  }
0x249: {  	v38 =	vld [tilespmem:s6+$0x0]  }
0x24a: {  	v63 =	vadd.f32 v39, v39;
	_ =	sdelay $0x1  }
0x24b: {  	v40 =	vsub.f32 $1.000000000e+00, v63;
	_ =	sdelay $0x1  }
0x24c: {  	v38 =	vmul.f32 v38, v40;
	_ =	sdelay $0x1  }
0x24d: {  	v38 =	vadd.f32 v39, v38;
	_ =	sdelay $0x1  }
0x24e: {  	[tilespmem:s6+$0x0] =	vst v38  }
0x24f: {  	[hbm4b:s12+s2] =	stream.linear.scatter [tilespmem:s1], [sflag:$0x9], $0x80, $0x38;
	[tilespmem:$0x980] =	vst v63  }
0x250: {  	_ =	swait.ge [sflag:s17], $0x80  }
0x251: {  	[sflag:s17] =	ssyncset.done $0x0  }
0x252: {  	[sflag:s17] =	ssyncadd.s32 $0xFFFFFF80  }
0x253: {  	_ =	swait.ge [sflag:s17], $0x80  }
0x254: {  	[sflag:s17] =	ssyncset.done $0x0  }
0x255: {  	[sflag:s17] =	ssyncadd.s32 $0xFFFFFF80  }
0x256: {  	_ =	swait.ge [sflag:s17], $0x80  }
0x257: {  	[sflag:s17] =	ssyncset.done $0x0  }
0x258: {  	[sflag:s17] =	ssyncadd.s32 $0xFFFFFF80  }
0x259: {  	_ =	swait.ge [sflag:s17], $0x80  }
0x25a: {  	[sflag:s17] =	ssyncset.done $0x0  }
0x25b: {  	[sflag:s17] =	ssyncadd.s32 $0xFFFFFF80  }
0x25c: {  	_ =	swait.ge [sflag:s17], $0x80  }
0x25d: {  	[sflag:s17] =	ssyncset.done $0x0  }
0x25e: {  	[sflag:s17] =	ssyncadd.s32 $0xFFFFFF80  }
0x25f: {  	_ =	swait.ge [sflag:s17], $0x80  }
0x260: {  	[sflag:s17] =	ssyncset.done $0x0  }
0x261: {  	s4 =	sadd.s32 $0x1, s4;
	[sflag:s17] =	ssyncadd.s32 $0xFFFFFF80  }
0x262: {  	p0 =	sne.s32 s4, s13;
	_ =	swait.ge [sflag:s17], $0x80  }
.Ltmp17:
0x263: {  	[sflag:s17] =	ssyncset.done $0x0;
	(pc) =	sbr.rel @p0 .LBB2_1-.Ltmp17, $4  }
0x264: {  	[sflag:s17] =	ssyncadd.s32 $0xFFFFFF80  }
0x265: {  	_ =	swait.ge [sflag:s17], $0x80  }
0x266: {  	[sflag:s17] =	ssyncset.done $0x0  }
0x267: {  	[sflag:s17] =	ssyncadd.s32 $0xFFFFFF80  }
0x268: {  	_ =	sfence.sel $0x180000  }
0x269: {  	[bflag:$0x0] =	sbarrier.arrive $0xFFFF  }
0x26a: {  	_ =	strace $0x90000047  }
0x26b: {  	s0 =	stileid.u32;
	[bflag:$0x2] =	sbarrier.arrive $0xFFFF  }
0x26c: {  	p0 =	sne.s32 s0, $0x0;
	s0 =	rddreg [dreg:$0x2]  }
0x26d: {  	s0 =	sadd.s32 @!p0 $0x100000, s0  }
0x26e: {  	[sflag:s0] =	ssyncadd.tile.s32 @!p0 $0x1;
	_ =	shalt  }
.Lfunc_end2:
_tile_overlayer_lowered:
.L_overlay_start_2:
0x26f: {  	(tag) =	ssettag $0x2  }
0x270: {  	s0 =	rddreg [dreg:$0x0];
	s2 =	stileid.u32  }
0x271: {  	s1 =	rddreg [dreg:$0x1];
	p0 =	sne.s32 s2, $0x0  }
0x272: {  	s3 =	rddreg [dreg:$0x2];
	[bflag:$0x3] =	sbarrier.arrive $0xFFFF;
	s2 =	simm.s32 @!p0 $0x1C0A  }
0x273: {  	[timem:s3], [sflag:s2] =	dma.local @!p0 [hbm:s0], s1  }
0x274: {  	s0 =	simm.s32 @!p0 $0xA  }
0x275: {  	_ =	swait.ge @!p0 [sflag:s0], s1  }
0x276: {  	s1 =	ssub.s32 @!p0 $0x0, s1;
	[sflag:s0] =	ssyncset.done @!p0 $0x0  }
0x277: {  	[sflag:s0] =	ssyncadd.s32 @!p0 s1  }
0x278: {  	[bflag:$0x3] =	sbarrier.arrive $0xFFFF  }
0x279: {  	_ =	shalt  }

</sc_bundles>
